<compile_context>
chip_gen: v7x
topology: tpu7x:2x2x1
jax: 0.10.2.dev20260603
libtpu: 0.0.44.dev20260713+nightly
codegen_flags: <defaults>
</compile_context>

<pallas_src>
import functools

import jax
import jax.numpy as jnp
from jax import lax
from jax.experimental import pallas as pl
from jax.experimental.pallas import tpu as pltpu
from jax.experimental.pallas import tpu_sc as plsc

_B, _L, _V = 32, 32, 32001
_MASK_IDX = 32000
_N = _B * _L
_R = 32
_NB = _N // _R
_RF = 32
_LANES = 16


@functools.partial(
    pl.kernel,
    mesh=plsc.VectorSubcoreMesh(core_axis_name="c", subcore_axis_name="s"),
    out_type=jax.ShapeDtypeStruct((_NB,), jnp.int32),
    scratch_types=[
        pltpu.VMEM((_N,), jnp.int32),
        pltpu.VMEM((_NB,), jnp.int32),
    ],
    compiler_params=pltpu.CompilerParams(needs_layout_passes=False),
)
def _sc_route(xt_hbm, flag_hbm, xt_v, flag_v):
    wid = lax.axis_index("s") * 2 + lax.axis_index("c")

    @pl.when(wid == 0)
    def _():
        pltpu.sync_copy(xt_hbm, xt_v)
        ids = lax.iota(jnp.int32, _LANES)
        zeros = jnp.zeros((_LANES,), jnp.int32)
        ones = jnp.full((_LANES,), 1, jnp.int32)
        f0 = zeros
        f1 = zeros
        for b in range(_NB):
            m0 = xt_v[pl.ds(b * _R, _LANES)] == _MASK_IDX
            m1 = xt_v[pl.ds(b * _R + _LANES, _LANES)] == _MASK_IDX
            nhit = plsc.all_reduce_population_count(m0 | m1)
            hs = jnp.where(nhit > 0, ones, zeros)
            if b < _LANES:
                f0 = f0 | jnp.where(ids == b, hs, zeros)
            else:
                f1 = f1 | jnp.where(ids == b - _LANES, hs, zeros)
        flag_v[pl.ds(0, _LANES)] = f0
        flag_v[pl.ds(_LANES, _LANES)] = f1
        pltpu.sync_copy(flag_v, flag_hbm)


def _fill_body(xt_ref, o_ref):
    xt = xt_ref[...]
    lane = jax.lax.broadcasted_iota(jnp.int32, (_RF, _V), 1)
    o_ref[...] = jnp.where(lane == xt, jnp.float32(0.0),
                           jnp.float32(-jnp.inf))


def _patch_body(flag_ref, xt_ref, x_hbm, filled_hbm, o_hbm,
                xbuf, obuf, sem_in, sem_out):
    del filled_hbm

    def step(b, carry):
        @pl.when(flag_ref[b] != 0)
        def _():
            pltpu.make_async_copy(
                x_hbm.at[pl.ds(b * _R, _R), :], xbuf, sem_in).start()
            xt = xt_ref[pl.ds(b * _R, _R), :]
            lane = jax.lax.broadcasted_iota(jnp.int32, (_R, _V), 1)
            neg_inf = jnp.float32(-jnp.inf)
            onehot = jnp.where(lane == xt, jnp.float32(0.0), neg_inf)
            pltpu.make_async_copy(
                x_hbm.at[pl.ds(b * _R, _R), :], xbuf, sem_in).wait()
            x = xbuf[...]
            valid = lane < _MASK_IDX
            xm = jnp.where(valid, x, neg_inf)
            m = jnp.max(xm, axis=-1, keepdims=True)
            s = jnp.sum(jnp.exp(xm - m), axis=-1, keepdims=True)
            lse = m + jnp.log(s)
            sm = jnp.where(valid, x - lse, neg_inf)
            obuf[...] = jnp.where(xt != _MASK_IDX, onehot, sm)
            cp = pltpu.make_async_copy(
                obuf, o_hbm.at[pl.ds(b * _R, _R), :], sem_out)
            cp.start()
            cp.wait()
        return carry

    lax.fori_loop(0, _NB, step, 0)


def kernel(output, xt):
    x = output.reshape(_N, _V)
    xt2 = xt.reshape(_N, 1)
    flags = _sc_route(xt.reshape(_N))
    filled = pl.pallas_call(
        _fill_body,
        grid=(_N // _RF,),
        in_specs=[pl.BlockSpec((_RF, 1), lambda i: (i, 0))],
        out_specs=pl.BlockSpec((_RF, _V), lambda i: (i, 0)),
        out_shape=jax.ShapeDtypeStruct((_N, _V), jnp.float32),
    )(xt2)
    out = pl.pallas_call(
        _patch_body,
        in_specs=[
            pl.BlockSpec(memory_space=pltpu.SMEM),
            pl.BlockSpec(memory_space=pltpu.VMEM),
            pl.BlockSpec(memory_space=pl.ANY),
            pl.BlockSpec(memory_space=pl.ANY),
        ],
        out_specs=pl.BlockSpec(memory_space=pl.ANY),
        out_shape=jax.ShapeDtypeStruct((_N, _V), jnp.float32),
        input_output_aliases={3: 0},
        scratch_shapes=[
            pltpu.VMEM((_R, _V), jnp.float32),
            pltpu.VMEM((_R, _V), jnp.float32),
            pltpu.SemaphoreType.DMA,
            pltpu.SemaphoreType.DMA,
        ],
    )(flags, xt2, x, filled)
    return out.reshape(_B, _L, _V)

# --- scband reference (transcript-rebuilt; emitter-appended) ---
"""Pipeline reference for scband-scheduler-11836929868287 (READ-ONLY COPY).

The authoritative reference and input builder live on the scoring server;
editing this copy changes nothing except your own understanding.
"""

import jax, jax.numpy as jnp
import numpy as np

B, L, V = 32, 32, 32001
MASK_IDX = 32000  # num_vocabs (mask token index); V = num_vocabs + 1


def setup_inputs(seed: int = 0) -> dict:
    key = jax.random.key(seed)
    k1, k2 = jax.random.split(key)
    output = jax.random.normal(k1, (B, L, V), dtype=jnp.float32)
    xt = jax.random.randint(k2, (B, L), 0, V, dtype=jnp.int32)
    return {"output": output, "xt": xt}


def reference(output, xt):
    # Faithful port of Scheduler.output_to_logits (model_name == 'mdlm')
    logits = output.at[:, :, MASK_IDX].set(-jnp.inf)
    logits = logits - jax.scipy.special.logsumexp(logits, axis=-1, keepdims=True)
    unmasked = xt != MASK_IDX  # [B, L] bool
    vocab_ids = jnp.arange(logits.shape[-1])
    onehot = vocab_ids[None, None, :] == xt[:, :, None]  # [B, L, V]
    # For unmasked positions: -inf everywhere except observed token, which gets 0
    logits = jnp.where(unmasked[:, :, None], jnp.where(onehot, 0.0, -jnp.inf), logits)
    return logits

if __name__ == "__main__":
    import jax
    _d = setup_inputs()
    print(jax.jit(kernel)(*tuple(_d.values())))

</pallas_src>

<mosaic_0001>
#map = affine_map<(d0, d1) -> (0)>
module attributes {stable_mosaic.version = 14 : i64} {
  func.func @_sc_route(%arg0: i32, %arg1: i32, %arg2: memref<1024xi32, #tpu.memory_space<hbm>>, %arg3: memref<32xi32, #tpu.memory_space<hbm>>, %arg4: memref<1024xi32, #tpu.memory_space<vmem>>, %arg5: memref<32xi32, #tpu.memory_space<vmem>>) attributes {dimension_semantics = [#tpu.dimension_semantics<core_parallel>, #tpu.dimension_semantics<subcore_parallel>], iteration_bounds = array<i64: 2, 16>, scalar_prefetch = 0 : i64, scratch_operands = 2 : i64, tpu.core_type = #tpu.core_type<sc_vector_subcore>, window_params = [{transform_indices = #map}, {transform_indices = #map}]} {
    %mul3A = arith.constant 2 : i32
    %mul3A_0 = arith.muli %arg1, %mul3A : i32
    %add3A = arith.addi %mul3A_0, %arg0 : i32
    %eq3A = arith.constant 0 : i32
    %eq3A_1 = arith.cmpi eq, %add3A, %eq3A : i32
    %convert_element_type3A = arith.extui %eq3A_1 : i1 to i32
    %cond3A = arith.constant 0 : i32
    %cond3A_2 = arith.cmpi ne, %convert_element_type3A, %cond3A : i32
    scf.if %cond3A_2 {
      "tpu.region"() ({
        %run_scoped3A = tpu.sem_alloc : memref<!tpu.dma_semaphore, #tpu.memory_space<semaphore_mem>>
        tpu.enqueue_dma source(%arg2 : memref<1024xi32, #tpu.memory_space<hbm>>) target(%arg4 : memref<1024xi32, #tpu.memory_space<vmem>>) target_semaphore(%run_scoped3A : memref<!tpu.dma_semaphore, #tpu.memory_space<semaphore_mem>>)
        tpu.wait_dma2 semaphore(%run_scoped3A : memref<!tpu.dma_semaphore, #tpu.memory_space<semaphore_mem>>) src(%arg2 : memref<1024xi32, #tpu.memory_space<hbm>>) dst(%arg4 : memref<1024xi32, #tpu.memory_space<vmem>>)
        tpu.yield
      }) : () -> ()
      %iota3A = tpu.iota {dimensions = array<i32: 0>} : vector<16xi32>
      %broadcast_in_dim3A = arith.constant 0 : i32
      %broadcast_in_dim3A_3 = vector.broadcast %broadcast_in_dim3A : i32 to vector<16xi32>
      %broadcast_in_dim3A_4 = arith.constant 1 : i32
      %broadcast_in_dim3A_5 = vector.broadcast %broadcast_in_dim3A_4 : i32 to vector<16xi32>
      %get3A = arith.constant 0 : index
      %get3A_6 = tpu.vector_load %arg4[%get3A] {strides = array<i32>} : memref<1024xi32, #tpu.memory_space<vmem>>, vector<16xi32>,
      %eq3A_7 = arith.constant 32000 : i32
      %eq3A_8 = vector.broadcast %eq3A_7 : i32 to vector<16xi32>
      %eq3A_9 = arith.cmpi eq, %get3A_6, %eq3A_8 : vector<16xi32>
      %get3A_10 = arith.constant 16 : index
      %get3A_11 = tpu.vector_load %arg4[%get3A_10] {strides = array<i32>} : memref<1024xi32, #tpu.memory_space<vmem>>, vector<16xi32>,
      %eq3A_12 = arith.constant 32000 : i32
      %eq3A_13 = vector.broadcast %eq3A_12 : i32 to vector<16xi32>
      %eq3A_14 = arith.cmpi eq, %get3A_11, %eq3A_13 : vector<16xi32>
      %or3A = arith.ori %eq3A_9, %eq3A_14 : vector<16xi1>
      %all_reduce_population_count3A = tpu.all_reduce %or3A {dim = 0 : i64, kind = #tpu.reduction_kind<sum>} : vector<16xi1> -> vector<16xi32>
      %gt3A = arith.constant 0 : i32
      %gt3A_15 = vector.broadcast %gt3A : i32 to vector<16xi32>
      %gt3A_16 = arith.cmpi sgt, %all_reduce_population_count3A, %gt3A_15 : vector<16xi32>
      %select_n3A = arith.select %gt3A_16, %broadcast_in_dim3A_5, %broadcast_in_dim3A_3 : vector<16xi1>, vector<16xi32>
      %eq3A_17 = arith.constant 0 : i32
      %eq3A_18 = vector.broadcast %eq3A_17 : i32 to vector<16xi32>
      %eq3A_19 = arith.cmpi eq, %iota3A, %eq3A_18 : vector<16xi32>
      %select_n3A_20 = arith.select %eq3A_19, %select_n3A, %broadcast_in_dim3A_3 : vector<16xi1>, vector<16xi32>
      %or3A_21 = arith.ori %broadcast_in_dim3A_3, %select_n3A_20 : vector<16xi32>
      %get3A_22 = arith.constant 32 : index
      %get3A_23 = tpu.vector_load %arg4[%get3A_22] {strides = array<i32>} : memref<1024xi32, #tpu.memory_space<vmem>>, vector<16xi32>,
      %eq3A_24 = arith.constant 32000 : i32
      %eq3A_25 = vector.broadcast %eq3A_24 : i32 to vector<16xi32>
      %eq3A_26 = arith.cmpi eq, %get3A_23, %eq3A_25 : vector<16xi32>
      %get3A_27 = arith.constant 48 : index
      %get3A_28 = tpu.vector_load %arg4[%get3A_27] {strides = array<i32>} : memref<1024xi32, #tpu.memory_space<vmem>>, vector<16xi32>,
      %eq3A_29 = arith.constant 32000 : i32
      %eq3A_30 = vector.broadcast %eq3A_29 : i32 to vector<16xi32>
      %eq3A_31 = arith.cmpi eq, %get3A_28, %eq3A_30 : vector<16xi32>
      %or3A_32 = arith.ori %eq3A_26, %eq3A_31 : vector<16xi1>
      %all_reduce_population_count3A_33 = tpu.all_reduce %or3A_32 {dim = 0 : i64, kind = #tpu.reduction_kind<sum>} : vector<16xi1> -> vector<16xi32>
      %gt3A_34 = arith.constant 0 : i32
      %gt3A_35 = vector.broadcast %gt3A_34 : i32 to vector<16xi32>
      %gt3A_36 = arith.cmpi sgt, %all_reduce_population_count3A_33, %gt3A_35 : vector<16xi32>
      %select_n3A_37 = arith.select %gt3A_36, %broadcast_in_dim3A_5, %broadcast_in_dim3A_3 : vector<16xi1>, vector<16xi32>
      %eq3A_38 = arith.constant 1 : i32
      %eq3A_39 = vector.broadcast %eq3A_38 : i32 to vector<16xi32>
      %eq3A_40 = arith.cmpi eq, %iota3A, %eq3A_39 : vector<16xi32>
      %select_n3A_41 = arith.select %eq3A_40, %select_n3A_37, %broadcast_in_dim3A_3 : vector<16xi1>, vector<16xi32>
      %or3A_42 = arith.ori %or3A_21, %select_n3A_41 : vector<16xi32>
      %get3A_43 = arith.constant 64 : index
      %get3A_44 = tpu.vector_load %arg4[%get3A_43] {strides = array<i32>} : memref<1024xi32, #tpu.memory_space<vmem>>, vector<16xi32>,
      %eq3A_45 = arith.constant 32000 : i32
      %eq3A_46 = vector.broadcast %eq3A_45 : i32 to vector<16xi32>
      %eq3A_47 = arith.cmpi eq, %get3A_44, %eq3A_46 : vector<16xi32>
      %get3A_48 = arith.constant 80 : index
      %get3A_49 = tpu.vector_load %arg4[%get3A_48] {strides = array<i32>} : memref<1024xi32, #tpu.memory_space<vmem>>, vector<16xi32>,
      %eq3A_50 = arith.constant 32000 : i32
      %eq3A_51 = vector.broadcast %eq3A_50 : i32 to vector<16xi32>
      %eq3A_52 = arith.cmpi eq, %get3A_49, %eq3A_51 : vector<16xi32>
      %or3A_53 = arith.ori %eq3A_47, %eq3A_52 : vector<16xi1>
      %all_reduce_population_count3A_54 = tpu.all_reduce %or3A_53 {dim = 0 : i64, kind = #tpu.reduction_kind<sum>} : vector<16xi1> -> vector<16xi32>
      %gt3A_55 = arith.constant 0 : i32
      %gt3A_56 = vector.broadcast %gt3A_55 : i32 to vector<16xi32>
      %gt3A_57 = arith.cmpi sgt, %all_reduce_population_count3A_54, %gt3A_56 : vector<16xi32>
      %select_n3A_58 = arith.select %gt3A_57, %broadcast_in_dim3A_5, %broadcast_in_dim3A_3 : vector<16xi1>, vector<16xi32>
      %eq3A_59 = arith.constant 2 : i32
      %eq3A_60 = vector.broadcast %eq3A_59 : i32 to vector<16xi32>
      %eq3A_61 = arith.cmpi eq, %iota3A, %eq3A_60 : vector<16xi32>
      %select_n3A_62 = arith.select %eq3A_61, %select_n3A_58, %broadcast_in_dim3A_3 : vector<16xi1>, vector<16xi32>
      %or3A_63 = arith.ori %or3A_42, %select_n3A_62 : vector<16xi32>
      %get3A_64 = arith.constant 96 : index
      %get3A_65 = tpu.vector_load %arg4[%get3A_64] {strides = array<i32>} : memref<1024xi32, #tpu.memory_space<vmem>>, vector<16xi32>,
      %eq3A_66 = arith.constant 32000 : i32
      %eq3A_67 = vector.broadcast %eq3A_66 : i32 to vector<16xi32>
      %eq3A_68 = arith.cmpi eq, %get3A_65, %eq3A_67 : vector<16xi32>
      %get3A_69 = arith.constant 112 : index
      %get3A_70 = tpu.vector_load %arg4[%get3A_69] {strides = array<i32>} : memref<1024xi32, #tpu.memory_space<vmem>>, vector<16xi32>,
      %eq3A_71 = arith.constant 32000 : i32
      %eq3A_72 = vector.broadcast %eq3A_71 : i32 to vector<16xi32>
      %eq3A_73 = arith.cmpi eq, %get3A_70, %eq3A_72 : vector<16xi32>
      %or3A_74 = arith.ori %eq3A_68, %eq3A_73 : vector<16xi1>
      %all_reduce_population_count3A_75 = tpu.all_reduce %or3A_74 {dim = 0 : i64, kind = #tpu.reduction_kind<sum>} : vector<16xi1> -> vector<16xi32>
      %gt3A_76 = arith.constant 0 : i32
      %gt3A_77 = vector.broadcast %gt3A_76 : i32 to vector<16xi32>
      %gt3A_78 = arith.cmpi sgt, %all_reduce_population_count3A_75, %gt3A_77 : vector<16xi32>
      %select_n3A_79 = arith.select %gt3A_78, %broadcast_in_dim3A_5, %broadcast_in_dim3A_3 : vector<16xi1>, vector<16xi32>
      %eq3A_80 = arith.constant 3 : i32
      %eq3A_81 = vector.broadcast %eq3A_80 : i32 to vector<16xi32>
      %eq3A_82 = arith.cmpi eq, %iota3A, %eq3A_81 : vector<16xi32>
      %select_n3A_83 = arith.select %eq3A_82, %select_n3A_79, %broadcast_in_dim3A_3 : vector<16xi1>, vector<16xi32>
      %or3A_84 = arith.ori %or3A_63, %select_n3A_83 : vector<16xi32>
      %get3A_85 = arith.constant 128 : index
      %get3A_86 = tpu.vector_load %arg4[%get3A_85] {strides = array<i32>} : memref<1024xi32, #tpu.memory_space<vmem>>, vector<16xi32>,
      %eq3A_87 = arith.constant 32000 : i32
      %eq3A_88 = vector.broadcast %eq3A_87 : i32 to vector<16xi32>
      %eq3A_89 = arith.cmpi eq, %get3A_86, %eq3A_88 : vector<16xi32>
      %get3A_90 = arith.constant 144 : index
      %get3A_91 = tpu.vector_load %arg4[%get3A_90] {strides = array<i32>} : memref<1024xi32, #tpu.memory_space<vmem>>, vector<16xi32>,
      %eq3A_92 = arith.constant 32000 : i32
      %eq3A_93 = vector.broadcast %eq3A_92 : i32 to vector<16xi32>
      %eq3A_94 = arith.cmpi eq, %get3A_91, %eq3A_93 : vector<16xi32>
      %or3A_95 = arith.ori %eq3A_89, %eq3A_94 : vector<16xi1>
      %all_reduce_population_count3A_96 = tpu.all_reduce %or3A_95 {dim = 0 : i64, kind = #tpu.reduction_kind<sum>} : vector<16xi1> -> vector<16xi32>
      %gt3A_97 = arith.constant 0 : i32
      %gt3A_98 = vector.broadcast %gt3A_97 : i32 to vector<16xi32>
      %gt3A_99 = arith.cmpi sgt, %all_reduce_population_count3A_96, %gt3A_98 : vector<16xi32>
      %select_n3A_100 = arith.select %gt3A_99, %broadcast_in_dim3A_5, %broadcast_in_dim3A_3 : vector<16xi1>, vector<16xi32>
      %eq3A_101 = arith.constant 4 : i32
      %eq3A_102 = vector.broadcast %eq3A_101 : i32 to vector<16xi32>
      %eq3A_103 = arith.cmpi eq, %iota3A, %eq3A_102 : vector<16xi32>
      %select_n3A_104 = arith.select %eq3A_103, %select_n3A_100, %broadcast_in_dim3A_3 : vector<16xi1>, vector<16xi32>
      %or3A_105 = arith.ori %or3A_84, %select_n3A_104 : vector<16xi32>
      %get3A_106 = arith.constant 160 : index
      %get3A_107 = tpu.vector_load %arg4[%get3A_106] {strides = array<i32>} : memref<1024xi32, #tpu.memory_space<vmem>>, vector<16xi32>,
      %eq3A_108 = arith.constant 32000 : i32
      %eq3A_109 = vector.broadcast %eq3A_108 : i32 to vector<16xi32>
      %eq3A_110 = arith.cmpi eq, %get3A_107, %eq3A_109 : vector<16xi32>
      %get3A_111 = arith.constant 176 : index
      %get3A_112 = tpu.vector_load %arg4[%get3A_111] {strides = array<i32>} : memref<1024xi32, #tpu.memory_space<vmem>>, vector<16xi32>,
      %eq3A_113 = arith.constant 32000 : i32
      %eq3A_114 = vector.broadcast %eq3A_113 : i32 to vector<16xi32>
      %eq3A_115 = arith.cmpi eq, %get3A_112, %eq3A_114 : vector<16xi32>
      %or3A_116 = arith.ori %eq3A_110, %eq3A_115 : vector<16xi1>
      %all_reduce_population_count3A_117 = tpu.all_reduce %or3A_116 {dim = 0 : i64, kind = #tpu.reduction_kind<sum>} : vector<16xi1> -> vector<16xi32>
      %gt3A_118 = arith.constant 0 : i32
      %gt3A_119 = vector.broadcast %gt3A_118 : i32 to vector<16xi32>
      %gt3A_120 = arith.cmpi sgt, %all_reduce_population_count3A_117, %gt3A_119 : vector<16xi32>
      %select_n3A_121 = arith.select %gt3A_120, %broadcast_in_dim3A_5, %broadcast_in_dim3A_3 : vector<16xi1>, vector<16xi32>
      %eq3A_122 = arith.constant 5 : i32
      %eq3A_123 = vector.broadcast %eq3A_122 : i32 to vector<16xi32>
      %eq3A_124 = arith.cmpi eq, %iota3A, %eq3A_123 : vector<16xi32>
      %select_n3A_125 = arith.select %eq3A_124, %select_n3A_121, %broadcast_in_dim3A_3 : vector<16xi1>, vector<16xi32>
      %or3A_126 = arith.ori %or3A_105, %select_n3A_125 : vector<16xi32>
      %get3A_127 = arith.constant 192 : index
      %get3A_128 = tpu.vector_load %arg4[%get3A_127] {strides = array<i32>} : memref<1024xi32, #tpu.memory_space<vmem>>, vector<16xi32>,
      %eq3A_129 = arith.constant 32000 : i32
      %eq3A_130 = vector.broadcast %eq3A_129 : i32 to vector<16xi32>
      %eq3A_131 = arith.cmpi eq, %get3A_128, %eq3A_130 : vector<16xi32>
      %get3A_132 = arith.constant 208 : index
      %get3A_133 = tpu.vector_load %arg4[%get3A_132] {strides = array<i32>} : memref<1024xi32, #tpu.memory_space<vmem>>, vector<16xi32>,
      %eq3A_134 = arith.constant 32000 : i32
      %eq3A_135 = vector.broadcast %eq3A_134 : i32 to vector<16xi32>
      %eq3A_136 = arith.cmpi eq, %get3A_133, %eq3A_135 : vector<16xi32>
      %or3A_137 = arith.ori %eq3A_131, %eq3A_136 : vector<16xi1>
      %all_reduce_population_count3A_138 = tpu.all_reduce %or3A_137 {dim = 0 : i64, kind = #tpu.reduction_kind<sum>} : vector<16xi1> -> vector<16xi32>
      %gt3A_139 = arith.constant 0 : i32
      %gt3A_140 = vector.broadcast %gt3A_139 : i32 to vector<16xi32>
      %gt3A_141 = arith.cmpi sgt, %all_reduce_population_count3A_138, %gt3A_140 : vector<16xi32>
      %select_n3A_142 = arith.select %gt3A_141, %broadcast_in_dim3A_5, %broadcast_in_dim3A_3 : vector<16xi1>, vector<16xi32>
      %eq3A_143 = arith.constant 6 : i32
      %eq3A_144 = vector.broadcast %eq3A_143 : i32 to vector<16xi32>
      %eq3A_145 = arith.cmpi eq, %iota3A, %eq3A_144 : vector<16xi32>
      %select_n3A_146 = arith.select %eq3A_145, %select_n3A_142, %broadcast_in_dim3A_3 : vector<16xi1>, vector<16xi32>
      %or3A_147 = arith.ori %or3A_126, %select_n3A_146 : vector<16xi32>
      %get3A_148 = arith.constant 224 : index
      %get3A_149 = tpu.vector_load %arg4[%get3A_148] {strides = array<i32>} : memref<1024xi32, #tpu.memory_space<vmem>>, vector<16xi32>,
      %eq3A_150 = arith.constant 32000 : i32
      %eq3A_151 = vector.broadcast %eq3A_150 : i32 to vector<16xi32>
      %eq3A_152 = arith.cmpi eq, %get3A_149, %eq3A_151 : vector<16xi32>
      %get3A_153 = arith.constant 240 : index
      %get3A_154 = tpu.vector_load %arg4[%get3A_153] {strides = array<i32>} : memref<1024xi32, #tpu.memory_space<vmem>>, vector<16xi32>,
      %eq3A_155 = arith.constant 32000 : i32
      %eq3A_156 = vector.broadcast %eq3A_155 : i32 to vector<16xi32>
      %eq3A_157 = arith.cmpi eq, %get3A_154, %eq3A_156 : vector<16xi32>
      %or3A_158 = arith.ori %eq3A_152, %eq3A_157 : vector<16xi1>
      %all_reduce_population_count3A_159 = tpu.all_reduce %or3A_158 {dim = 0 : i64, kind = #tpu.reduction_kind<sum>} : vector<16xi1> -> vector<16xi32>
      %gt3A_160 = arith.constant 0 : i32
      %gt3A_161 = vector.broadcast %gt3A_160 : i32 to vector<16xi32>
      %gt3A_162 = arith.cmpi sgt, %all_reduce_population_count3A_159, %gt3A_161 : vector<16xi32>
      %select_n3A_163 = arith.select %gt3A_162, %broadcast_in_dim3A_5, %broadcast_in_dim3A_3 : vector<16xi1>, vector<16xi32>
      %eq3A_164 = arith.constant 7 : i32
      %eq3A_165 = vector.broadcast %eq3A_164 : i32 to vector<16xi32>
      %eq3A_166 = arith.cmpi eq, %iota3A, %eq3A_165 : vector<16xi32>
      %select_n3A_167 = arith.select %eq3A_166, %select_n3A_163, %broadcast_in_dim3A_3 : vector<16xi1>, vector<16xi32>
      %or3A_168 = arith.ori %or3A_147, %select_n3A_167 : vector<16xi32>
      %get3A_169 = arith.constant 256 : index
      %get3A_170 = tpu.vector_load %arg4[%get3A_169] {strides = array<i32>} : memref<1024xi32, #tpu.memory_space<vmem>>, vector<16xi32>,
      %eq3A_171 = arith.constant 32000 : i32
      %eq3A_172 = vector.broadcast %eq3A_171 : i32 to vector<16xi32>
      %eq3A_173 = arith.cmpi eq, %get3A_170, %eq3A_172 : vector<16xi32>
      %get3A_174 = arith.constant 272 : index
      %get3A_175 = tpu.vector_load %arg4[%get3A_174] {strides = array<i32>} : memref<1024xi32, #tpu.memory_space<vmem>>, vector<16xi32>,
      %eq3A_176 = arith.constant 32000 : i32
      %eq3A_177 = vector.broadcast %eq3A_176 : i32 to vector<16xi32>
      %eq3A_178 = arith.cmpi eq, %get3A_175, %eq3A_177 : vector<16xi32>
      %or3A_179 = arith.ori %eq3A_173, %eq3A_178 : vector<16xi1>
      %all_reduce_population_count3A_180 = tpu.all_reduce %or3A_179 {dim = 0 : i64, kind = #tpu.reduction_kind<sum>} : vector<16xi1> -> vector<16xi32>
      %gt3A_181 = arith.constant 0 : i32
      %gt3A_182 = vector.broadcast %gt3A_181 : i32 to vector<16xi32>
      %gt3A_183 = arith.cmpi sgt, %all_reduce_population_count3A_180, %gt3A_182 : vector<16xi32>
      %select_n3A_184 = arith.select %gt3A_183, %broadcast_in_dim3A_5, %broadcast_in_dim3A_3 : vector<16xi1>, vector<16xi32>
      %eq3A_185 = arith.constant 8 : i32
      %eq3A_186 = vector.broadcast %eq3A_185 : i32 to vector<16xi32>
      %eq3A_187 = arith.cmpi eq, %iota3A, %eq3A_186 : vector<16xi32>
      %select_n3A_188 = arith.select %eq3A_187, %select_n3A_184, %broadcast_in_dim3A_3 : vector<16xi1>, vector<16xi32>
      %or3A_189 = arith.ori %or3A_168, %select_n3A_188 : vector<16xi32>
      %get3A_190 = arith.constant 288 : index
      %get3A_191 = tpu.vector_load %arg4[%get3A_190] {strides = array<i32>} : memref<1024xi32, #tpu.memory_space<vmem>>, vector<16xi32>,
      %eq3A_192 = arith.constant 32000 : i32
      %eq3A_193 = vector.broadcast %eq3A_192 : i32 to vector<16xi32>
      %eq3A_194 = arith.cmpi eq, %get3A_191, %eq3A_193 : vector<16xi32>
      %get3A_195 = arith.constant 304 : index
      %get3A_196 = tpu.vector_load %arg4[%get3A_195] {strides = array<i32>} : memref<1024xi32, #tpu.memory_space<vmem>>, vector<16xi32>,
      %eq3A_197 = arith.constant 32000 : i32
      %eq3A_198 = vector.broadcast %eq3A_197 : i32 to vector<16xi32>
      %eq3A_199 = arith.cmpi eq, %get3A_196, %eq3A_198 : vector<16xi32>
      %or3A_200 = arith.ori %eq3A_194, %eq3A_199 : vector<16xi1>
      %all_reduce_population_count3A_201 = tpu.all_reduce %or3A_200 {dim = 0 : i64, kind = #tpu.reduction_kind<sum>} : vector<16xi1> -> vector<16xi32>
      %gt3A_202 = arith.constant 0 : i32
      %gt3A_203 = vector.broadcast %gt3A_202 : i32 to vector<16xi32>
      %gt3A_204 = arith.cmpi sgt, %all_reduce_population_count3A_201, %gt3A_203 : vector<16xi32>
      %select_n3A_205 = arith.select %gt3A_204, %broadcast_in_dim3A_5, %broadcast_in_dim3A_3 : vector<16xi1>, vector<16xi32>
      %eq3A_206 = arith.constant 9 : i32
      %eq3A_207 = vector.broadcast %eq3A_206 : i32 to vector<16xi32>
      %eq3A_208 = arith.cmpi eq, %iota3A, %eq3A_207 : vector<16xi32>
      %select_n3A_209 = arith.select %eq3A_208, %select_n3A_205, %broadcast_in_dim3A_3 : vector<16xi1>, vector<16xi32>
      %or3A_210 = arith.ori %or3A_189, %select_n3A_209 : vector<16xi32>
      %get3A_211 = arith.constant 320 : index
      %get3A_212 = tpu.vector_load %arg4[%get3A_211] {strides = array<i32>} : memref<1024xi32, #tpu.memory_space<vmem>>, vector<16xi32>,
      %eq3A_213 = arith.constant 32000 : i32
      %eq3A_214 = vector.broadcast %eq3A_213 : i32 to vector<16xi32>
      %eq3A_215 = arith.cmpi eq, %get3A_212, %eq3A_214 : vector<16xi32>
      %get3A_216 = arith.constant 336 : index
      %get3A_217 = tpu.vector_load %arg4[%get3A_216] {strides = array<i32>} : memref<1024xi32, #tpu.memory_space<vmem>>, vector<16xi32>,
      %eq3A_218 = arith.constant 32000 : i32
      %eq3A_219 = vector.broadcast %eq3A_218 : i32 to vector<16xi32>
      %eq3A_220 = arith.cmpi eq, %get3A_217, %eq3A_219 : vector<16xi32>
      %or3A_221 = arith.ori %eq3A_215, %eq3A_220 : vector<16xi1>
      %all_reduce_population_count3A_222 = tpu.all_reduce %or3A_221 {dim = 0 : i64, kind = #tpu.reduction_kind<sum>} : vector<16xi1> -> vector<16xi32>
      %gt3A_223 = arith.constant 0 : i32
      %gt3A_224 = vector.broadcast %gt3A_223 : i32 to vector<16xi32>
      %gt3A_225 = arith.cmpi sgt, %all_reduce_population_count3A_222, %gt3A_224 : vector<16xi32>
      %select_n3A_226 = arith.select %gt3A_225, %broadcast_in_dim3A_5, %broadcast_in_dim3A_3 : vector<16xi1>, vector<16xi32>
      %eq3A_227 = arith.constant 10 : i32
      %eq3A_228 = vector.broadcast %eq3A_227 : i32 to vector<16xi32>
      %eq3A_229 = arith.cmpi eq, %iota3A, %eq3A_228 : vector<16xi32>
      %select_n3A_230 = arith.select %eq3A_229, %select_n3A_226, %broadcast_in_dim3A_3 : vector<16xi1>, vector<16xi32>
      %or3A_231 = arith.ori %or3A_210, %select_n3A_230 : vector<16xi32>
      %get3A_232 = arith.constant 352 : index
      %get3A_233 = tpu.vector_load %arg4[%get3A_232] {strides = array<i32>} : memref<1024xi32, #tpu.memory_space<vmem>>, vector<16xi32>,
      %eq3A_234 = arith.constant 32000 : i32
      %eq3A_235 = vector.broadcast %eq3A_234 : i32 to vector<16xi32>
      %eq3A_236 = arith.cmpi eq, %get3A_233, %eq3A_235 : vector<16xi32>
      %get3A_237 = arith.constant 368 : index
      %get3A_238 = tpu.vector_load %arg4[%get3A_237] {strides = array<i32>} : memref<1024xi32, #tpu.memory_space<vmem>>, vector<16xi32>,
      %eq3A_239 = arith.constant 32000 : i32
      %eq3A_240 = vector.broadcast %eq3A_239 : i32 to vector<16xi32>
      %eq3A_241 = arith.cmpi eq, %get3A_238, %eq3A_240 : vector<16xi32>
      %or3A_242 = arith.ori %eq3A_236, %eq3A_241 : vector<16xi1>
      %all_reduce_population_count3A_243 = tpu.all_reduce %or3A_242 {dim = 0 : i64, kind = #tpu.reduction_kind<sum>} : vector<16xi1> -> vector<16xi32>
      %gt3A_244 = arith.constant 0 : i32
      %gt3A_245 = vector.broadcast %gt3A_244 : i32 to vector<16xi32>
      %gt3A_246 = arith.cmpi sgt, %all_reduce_population_count3A_243, %gt3A_245 : vector<16xi32>
      %select_n3A_247 = arith.select %gt3A_246, %broadcast_in_dim3A_5, %broadcast_in_dim3A_3 : vector<16xi1>, vector<16xi32>
      %eq3A_248 = arith.constant 11 : i32
      %eq3A_249 = vector.broadcast %eq3A_248 : i32 to vector<16xi32>
      %eq3A_250 = arith.cmpi eq, %iota3A, %eq3A_249 : vector<16xi32>
      %select_n3A_251 = arith.select %eq3A_250, %select_n3A_247, %broadcast_in_dim3A_3 : vector<16xi1>, vector<16xi32>
      %or3A_252 = arith.ori %or3A_231, %select_n3A_251 : vector<16xi32>
      %get3A_253 = arith.constant 384 : index
      %get3A_254 = tpu.vector_load %arg4[%get3A_253] {strides = array<i32>} : memref<1024xi32, #tpu.memory_space<vmem>>, vector<16xi32>,
      %eq3A_255 = arith.constant 32000 : i32
      %eq3A_256 = vector.broadcast %eq3A_255 : i32 to vector<16xi32>
      %eq3A_257 = arith.cmpi eq, %get3A_254, %eq3A_256 : vector<16xi32>
      %get3A_258 = arith.constant 400 : index
      %get3A_259 = tpu.vector_load %arg4[%get3A_258] {strides = array<i32>} : memref<1024xi32, #tpu.memory_space<vmem>>, vector<16xi32>,
      %eq3A_260 = arith.constant 32000 : i32
      %eq3A_261 = vector.broadcast %eq3A_260 : i32 to vector<16xi32>
      %eq3A_262 = arith.cmpi eq, %get3A_259, %eq3A_261 : vector<16xi32>
      %or3A_263 = arith.ori %eq3A_257, %eq3A_262 : vector<16xi1>
      %all_reduce_population_count3A_264 = tpu.all_reduce %or3A_263 {dim = 0 : i64, kind = #tpu.reduction_kind<sum>} : vector<16xi1> -> vector<16xi32>
      %gt3A_265 = arith.constant 0 : i32
      %gt3A_266 = vector.broadcast %gt3A_265 : i32 to vector<16xi32>
      %gt3A_267 = arith.cmpi sgt, %all_reduce_population_count3A_264, %gt3A_266 : vector<16xi32>
      %select_n3A_268 = arith.select %gt3A_267, %broadcast_in_dim3A_5, %broadcast_in_dim3A_3 : vector<16xi1>, vector<16xi32>
      %eq3A_269 = arith.constant 12 : i32
      %eq3A_270 = vector.broadcast %eq3A_269 : i32 to vector<16xi32>
      %eq3A_271 = arith.cmpi eq, %iota3A, %eq3A_270 : vector<16xi32>
      %select_n3A_272 = arith.select %eq3A_271, %select_n3A_268, %broadcast_in_dim3A_3 : vector<16xi1>, vector<16xi32>
      %or3A_273 = arith.ori %or3A_252, %select_n3A_272 : vector<16xi32>
      %get3A_274 = arith.constant 416 : index
      %get3A_275 = tpu.vector_load %arg4[%get3A_274] {strides = array<i32>} : memref<1024xi32, #tpu.memory_space<vmem>>, vector<16xi32>,
      %eq3A_276 = arith.constant 32000 : i32
      %eq3A_277 = vector.broadcast %eq3A_276 : i32 to vector<16xi32>
      %eq3A_278 = arith.cmpi eq, %get3A_275, %eq3A_277 : vector<16xi32>
      %get3A_279 = arith.constant 432 : index
      %get3A_280 = tpu.vector_load %arg4[%get3A_279] {strides = array<i32>} : memref<1024xi32, #tpu.memory_space<vmem>>, vector<16xi32>,
      %eq3A_281 = arith.constant 32000 : i32
      %eq3A_282 = vector.broadcast %eq3A_281 : i32 to vector<16xi32>
      %eq3A_283 = arith.cmpi eq, %get3A_280, %eq3A_282 : vector<16xi32>
      %or3A_284 = arith.ori %eq3A_278, %eq3A_283 : vector<16xi1>
      %all_reduce_population_count3A_285 = tpu.all_reduce %or3A_284 {dim = 0 : i64, kind = #tpu.reduction_kind<sum>} : vector<16xi1> -> vector<16xi32>
      %gt3A_286 = arith.constant 0 : i32
      %gt3A_287 = vector.broadcast %gt3A_286 : i32 to vector<16xi32>
      %gt3A_288 = arith.cmpi sgt, %all_reduce_population_count3A_285, %gt3A_287 : vector<16xi32>
      %select_n3A_289 = arith.select %gt3A_288, %broadcast_in_dim3A_5, %broadcast_in_dim3A_3 : vector<16xi1>, vector<16xi32>
      %eq3A_290 = arith.constant 13 : i32
      %eq3A_291 = vector.broadcast %eq3A_290 : i32 to vector<16xi32>
      %eq3A_292 = arith.cmpi eq, %iota3A, %eq3A_291 : vector<16xi32>
      %select_n3A_293 = arith.select %eq3A_292, %select_n3A_289, %broadcast_in_dim3A_3 : vector<16xi1>, vector<16xi32>
      %or3A_294 = arith.ori %or3A_273, %select_n3A_293 : vector<16xi32>
      %get3A_295 = arith.constant 448 : index
      %get3A_296 = tpu.vector_load %arg4[%get3A_295] {strides = array<i32>} : memref<1024xi32, #tpu.memory_space<vmem>>, vector<16xi32>,
      %eq3A_297 = arith.constant 32000 : i32
      %eq3A_298 = vector.broadcast %eq3A_297 : i32 to vector<16xi32>
      %eq3A_299 = arith.cmpi eq, %get3A_296, %eq3A_298 : vector<16xi32>
      %get3A_300 = arith.constant 464 : index
      %get3A_301 = tpu.vector_load %arg4[%get3A_300] {strides = array<i32>} : memref<1024xi32, #tpu.memory_space<vmem>>, vector<16xi32>,
      %eq3A_302 = arith.constant 32000 : i32
      %eq3A_303 = vector.broadcast %eq3A_302 : i32 to vector<16xi32>
      %eq3A_304 = arith.cmpi eq, %get3A_301, %eq3A_303 : vector<16xi32>
      %or3A_305 = arith.ori %eq3A_299, %eq3A_304 : vector<16xi1>
      %all_reduce_population_count3A_306 = tpu.all_reduce %or3A_305 {dim = 0 : i64, kind = #tpu.reduction_kind<sum>} : vector<16xi1> -> vector<16xi32>
      %gt3A_307 = arith.constant 0 : i32
      %gt3A_308 = vector.broadcast %gt3A_307 : i32 to vector<16xi32>
      %gt3A_309 = arith.cmpi sgt, %all_reduce_population_count3A_306, %gt3A_308 : vector<16xi32>
      %select_n3A_310 = arith.select %gt3A_309, %broadcast_in_dim3A_5, %broadcast_in_dim3A_3 : vector<16xi1>, vector<16xi32>
      %eq3A_311 = arith.constant 14 : i32
      %eq3A_312 = vector.broadcast %eq3A_311 : i32 to vector<16xi32>
      %eq3A_313 = arith.cmpi eq, %iota3A, %eq3A_312 : vector<16xi32>
      %select_n3A_314 = arith.select %eq3A_313, %select_n3A_310, %broadcast_in_dim3A_3 : vector<16xi1>, vector<16xi32>
      %or3A_315 = arith.ori %or3A_294, %select_n3A_314 : vector<16xi32>
      %get3A_316 = arith.constant 480 : index
      %get3A_317 = tpu.vector_load %arg4[%get3A_316] {strides = array<i32>} : memref<1024xi32, #tpu.memory_space<vmem>>, vector<16xi32>,
      %eq3A_318 = arith.constant 32000 : i32
      %eq3A_319 = vector.broadcast %eq3A_318 : i32 to vector<16xi32>
      %eq3A_320 = arith.cmpi eq, %get3A_317, %eq3A_319 : vector<16xi32>
      %get3A_321 = arith.constant 496 : index
      %get3A_322 = tpu.vector_load %arg4[%get3A_321] {strides = array<i32>} : memref<1024xi32, #tpu.memory_space<vmem>>, vector<16xi32>,
      %eq3A_323 = arith.constant 32000 : i32
      %eq3A_324 = vector.broadcast %eq3A_323 : i32 to vector<16xi32>
      %eq3A_325 = arith.cmpi eq, %get3A_322, %eq3A_324 : vector<16xi32>
      %or3A_326 = arith.ori %eq3A_320, %eq3A_325 : vector<16xi1>
      %all_reduce_population_count3A_327 = tpu.all_reduce %or3A_326 {dim = 0 : i64, kind = #tpu.reduction_kind<sum>} : vector<16xi1> -> vector<16xi32>
      %gt3A_328 = arith.constant 0 : i32
      %gt3A_329 = vector.broadcast %gt3A_328 : i32 to vector<16xi32>
      %gt3A_330 = arith.cmpi sgt, %all_reduce_population_count3A_327, %gt3A_329 : vector<16xi32>
      %select_n3A_331 = arith.select %gt3A_330, %broadcast_in_dim3A_5, %broadcast_in_dim3A_3 : vector<16xi1>, vector<16xi32>
      %eq3A_332 = arith.constant 15 : i32
      %eq3A_333 = vector.broadcast %eq3A_332 : i32 to vector<16xi32>
      %eq3A_334 = arith.cmpi eq, %iota3A, %eq3A_333 : vector<16xi32>
      %select_n3A_335 = arith.select %eq3A_334, %select_n3A_331, %broadcast_in_dim3A_3 : vector<16xi1>, vector<16xi32>
      %or3A_336 = arith.ori %or3A_315, %select_n3A_335 : vector<16xi32>
      %get3A_337 = arith.constant 512 : index
      %get3A_338 = tpu.vector_load %arg4[%get3A_337] {strides = array<i32>} : memref<1024xi32, #tpu.memory_space<vmem>>, vector<16xi32>,
      %eq3A_339 = arith.constant 32000 : i32
      %eq3A_340 = vector.broadcast %eq3A_339 : i32 to vector<16xi32>
      %eq3A_341 = arith.cmpi eq, %get3A_338, %eq3A_340 : vector<16xi32>
      %get3A_342 = arith.constant 528 : index
      %get3A_343 = tpu.vector_load %arg4[%get3A_342] {strides = array<i32>} : memref<1024xi32, #tpu.memory_space<vmem>>, vector<16xi32>,
      %eq3A_344 = arith.constant 32000 : i32
      %eq3A_345 = vector.broadcast %eq3A_344 : i32 to vector<16xi32>
      %eq3A_346 = arith.cmpi eq, %get3A_343, %eq3A_345 : vector<16xi32>
      %or3A_347 = arith.ori %eq3A_341, %eq3A_346 : vector<16xi1>
      %all_reduce_population_count3A_348 = tpu.all_reduce %or3A_347 {dim = 0 : i64, kind = #tpu.reduction_kind<sum>} : vector<16xi1> -> vector<16xi32>
      %gt3A_349 = arith.constant 0 : i32
      %gt3A_350 = vector.broadcast %gt3A_349 : i32 to vector<16xi32>
      %gt3A_351 = arith.cmpi sgt, %all_reduce_population_count3A_348, %gt3A_350 : vector<16xi32>
      %select_n3A_352 = arith.select %gt3A_351, %broadcast_in_dim3A_5, %broadcast_in_dim3A_3 : vector<16xi1>, vector<16xi32>
      %eq3A_353 = arith.constant 0 : i32
      %eq3A_354 = vector.broadcast %eq3A_353 : i32 to vector<16xi32>
      %eq3A_355 = arith.cmpi eq, %iota3A, %eq3A_354 : vector<16xi32>
      %select_n3A_356 = arith.select %eq3A_355, %select_n3A_352, %broadcast_in_dim3A_3 : vector<16xi1>, vector<16xi32>
      %or3A_357 = arith.ori %broadcast_in_dim3A_3, %select_n3A_356 : vector<16xi32>
      %get3A_358 = arith.constant 544 : index
      %get3A_359 = tpu.vector_load %arg4[%get3A_358] {strides = array<i32>} : memref<1024xi32, #tpu.memory_space<vmem>>, vector<16xi32>,
      %eq3A_360 = arith.constant 32000 : i32
      %eq3A_361 = vector.broadcast %eq3A_360 : i32 to vector<16xi32>
      %eq3A_362 = arith.cmpi eq, %get3A_359, %eq3A_361 : vector<16xi32>
      %get3A_363 = arith.constant 560 : index
      %get3A_364 = tpu.vector_load %arg4[%get3A_363] {strides = array<i32>} : memref<1024xi32, #tpu.memory_space<vmem>>, vector<16xi32>,
      %eq3A_365 = arith.constant 32000 : i32
      %eq3A_366 = vector.broadcast %eq3A_365 : i32 to vector<16xi32>
      %eq3A_367 = arith.cmpi eq, %get3A_364, %eq3A_366 : vector<16xi32>
      %or3A_368 = arith.ori %eq3A_362, %eq3A_367 : vector<16xi1>
      %all_reduce_population_count3A_369 = tpu.all_reduce %or3A_368 {dim = 0 : i64, kind = #tpu.reduction_kind<sum>} : vector<16xi1> -> vector<16xi32>
      %gt3A_370 = arith.constant 0 : i32
      %gt3A_371 = vector.broadcast %gt3A_370 : i32 to vector<16xi32>
      %gt3A_372 = arith.cmpi sgt, %all_reduce_population_count3A_369, %gt3A_371 : vector<16xi32>
      %select_n3A_373 = arith.select %gt3A_372, %broadcast_in_dim3A_5, %broadcast_in_dim3A_3 : vector<16xi1>, vector<16xi32>
      %eq3A_374 = arith.constant 1 : i32
      %eq3A_375 = vector.broadcast %eq3A_374 : i32 to vector<16xi32>
      %eq3A_376 = arith.cmpi eq, %iota3A, %eq3A_375 : vector<16xi32>
      %select_n3A_377 = arith.select %eq3A_376, %select_n3A_373, %broadcast_in_dim3A_3 : vector<16xi1>, vector<16xi32>
      %or3A_378 = arith.ori %or3A_357, %select_n3A_377 : vector<16xi32>
      %get3A_379 = arith.constant 576 : index
      %get3A_380 = tpu.vector_load %arg4[%get3A_379] {strides = array<i32>} : memref<1024xi32, #tpu.memory_space<vmem>>, vector<16xi32>,
      %eq3A_381 = arith.constant 32000 : i32
      %eq3A_382 = vector.broadcast %eq3A_381 : i32 to vector<16xi32>
      %eq3A_383 = arith.cmpi eq, %get3A_380, %eq3A_382 : vector<16xi32>
      %get3A_384 = arith.constant 592 : index
      %get3A_385 = tpu.vector_load %arg4[%get3A_384] {strides = array<i32>} : memref<1024xi32, #tpu.memory_space<vmem>>, vector<16xi32>,
      %eq3A_386 = arith.constant 32000 : i32
      %eq3A_387 = vector.broadcast %eq3A_386 : i32 to vector<16xi32>
      %eq3A_388 = arith.cmpi eq, %get3A_385, %eq3A_387 : vector<16xi32>
      %or3A_389 = arith.ori %eq3A_383, %eq3A_388 : vector<16xi1>
      %all_reduce_population_count3A_390 = tpu.all_reduce %or3A_389 {dim = 0 : i64, kind = #tpu.reduction_kind<sum>} : vector<16xi1> -> vector<16xi32>
      %gt3A_391 = arith.constant 0 : i32
      %gt3A_392 = vector.broadcast %gt3A_391 : i32 to vector<16xi32>
      %gt3A_393 = arith.cmpi sgt, %all_reduce_population_count3A_390, %gt3A_392 : vector<16xi32>
      %select_n3A_394 = arith.select %gt3A_393, %broadcast_in_dim3A_5, %broadcast_in_dim3A_3 : vector<16xi1>, vector<16xi32>
      %eq3A_395 = arith.constant 2 : i32
      %eq3A_396 = vector.broadcast %eq3A_395 : i32 to vector<16xi32>
      %eq3A_397 = arith.cmpi eq, %iota3A, %eq3A_396 : vector<16xi32>
      %select_n3A_398 = arith.select %eq3A_397, %select_n3A_394, %broadcast_in_dim3A_3 : vector<16xi1>, vector<16xi32>
      %or3A_399 = arith.ori %or3A_378, %select_n3A_398 : vector<16xi32>
      %get3A_400 = arith.constant 608 : index
      %get3A_401 = tpu.vector_load %arg4[%get3A_400] {strides = array<i32>} : memref<1024xi32, #tpu.memory_space<vmem>>, vector<16xi32>,
      %eq3A_402 = arith.constant 32000 : i32
      %eq3A_403 = vector.broadcast %eq3A_402 : i32 to vector<16xi32>
      %eq3A_404 = arith.cmpi eq, %get3A_401, %eq3A_403 : vector<16xi32>
      %get3A_405 = arith.constant 624 : index
      %get3A_406 = tpu.vector_load %arg4[%get3A_405] {strides = array<i32>} : memref<1024xi32, #tpu.memory_space<vmem>>, vector<16xi32>,
      %eq3A_407 = arith.constant 32000 : i32
      %eq3A_408 = vector.broadcast %eq3A_407 : i32 to vector<16xi32>
      %eq3A_409 = arith.cmpi eq, %get3A_406, %eq3A_408 : vector<16xi32>
      %or3A_410 = arith.ori %eq3A_404, %eq3A_409 : vector<16xi1>
      %all_reduce_population_count3A_411 = tpu.all_reduce %or3A_410 {dim = 0 : i64, kind = #tpu.reduction_kind<sum>} : vector<16xi1> -> vector<16xi32>
      %gt3A_412 = arith.constant 0 : i32
      %gt3A_413 = vector.broadcast %gt3A_412 : i32 to vector<16xi32>
      %gt3A_414 = arith.cmpi sgt, %all_reduce_population_count3A_411, %gt3A_413 : vector<16xi32>
      %select_n3A_415 = arith.select %gt3A_414, %broadcast_in_dim3A_5, %broadcast_in_dim3A_3 : vector<16xi1>, vector<16xi32>
      %eq3A_416 = arith.constant 3 : i32
      %eq3A_417 = vector.broadcast %eq3A_416 : i32 to vector<16xi32>
      %eq3A_418 = arith.cmpi eq, %iota3A, %eq3A_417 : vector<16xi32>
      %select_n3A_419 = arith.select %eq3A_418, %select_n3A_415, %broadcast_in_dim3A_3 : vector<16xi1>, vector<16xi32>
      %or3A_420 = arith.ori %or3A_399, %select_n3A_419 : vector<16xi32>
      %get3A_421 = arith.constant 640 : index
      %get3A_422 = tpu.vector_load %arg4[%get3A_421] {strides = array<i32>} : memref<1024xi32, #tpu.memory_space<vmem>>, vector<16xi32>,
      %eq3A_423 = arith.constant 32000 : i32
      %eq3A_424 = vector.broadcast %eq3A_423 : i32 to vector<16xi32>
      %eq3A_425 = arith.cmpi eq, %get3A_422, %eq3A_424 : vector<16xi32>
      %get3A_426 = arith.constant 656 : index
      %get3A_427 = tpu.vector_load %arg4[%get3A_426] {strides = array<i32>} : memref<1024xi32, #tpu.memory_space<vmem>>, vector<16xi32>,
      %eq3A_428 = arith.constant 32000 : i32
      %eq3A_429 = vector.broadcast %eq3A_428 : i32 to vector<16xi32>
      %eq3A_430 = arith.cmpi eq, %get3A_427, %eq3A_429 : vector<16xi32>
      %or3A_431 = arith.ori %eq3A_425, %eq3A_430 : vector<16xi1>
      %all_reduce_population_count3A_432 = tpu.all_reduce %or3A_431 {dim = 0 : i64, kind = #tpu.reduction_kind<sum>} : vector<16xi1> -> vector<16xi32>
      %gt3A_433 = arith.constant 0 : i32
      %gt3A_434 = vector.broadcast %gt3A_433 : i32 to vector<16xi32>
      %gt3A_435 = arith.cmpi sgt, %all_reduce_population_count3A_432, %gt3A_434 : vector<16xi32>
      %select_n3A_436 = arith.select %gt3A_435, %broadcast_in_dim3A_5, %broadcast_in_dim3A_3 : vector<16xi1>, vector<16xi32>
      %eq3A_437 = arith.constant 4 : i32
      %eq3A_438 = vector.broadcast %eq3A_437 : i32 to vector<16xi32>
      %eq3A_439 = arith.cmpi eq, %iota3A, %eq3A_438 : vector<16xi32>
      %select_n3A_440 = arith.select %eq3A_439, %select_n3A_436, %broadcast_in_dim3A_3 : vector<16xi1>, vector<16xi32>
      %or3A_441 = arith.ori %or3A_420, %select_n3A_440 : vector<16xi32>
      %get3A_442 = arith.constant 672 : index
      %get3A_443 = tpu.vector_load %arg4[%get3A_442] {strides = array<i32>} : memref<1024xi32, #tpu.memory_space<vmem>>, vector<16xi32>,
      %eq3A_444 = arith.constant 32000 : i32
      %eq3A_445 = vector.broadcast %eq3A_444 : i32 to vector<16xi32>
      %eq3A_446 = arith.cmpi eq, %get3A_443, %eq3A_445 : vector<16xi32>
      %get3A_447 = arith.constant 688 : index
      %get3A_448 = tpu.vector_load %arg4[%get3A_447] {strides = array<i32>} : memref<1024xi32, #tpu.memory_space<vmem>>, vector<16xi32>,
      %eq3A_449 = arith.constant 32000 : i32
      %eq3A_450 = vector.broadcast %eq3A_449 : i32 to vector<16xi32>
      %eq3A_451 = arith.cmpi eq, %get3A_448, %eq3A_450 : vector<16xi32>
      %or3A_452 = arith.ori %eq3A_446, %eq3A_451 : vector<16xi1>
      %all_reduce_population_count3A_453 = tpu.all_reduce %or3A_452 {dim = 0 : i64, kind = #tpu.reduction_kind<sum>} : vector<16xi1> -> vector<16xi32>
      %gt3A_454 = arith.constant 0 : i32
      %gt3A_455 = vector.broadcast %gt3A_454 : i32 to vector<16xi32>
      %gt3A_456 = arith.cmpi sgt, %all_reduce_population_count3A_453, %gt3A_455 : vector<16xi32>
      %select_n3A_457 = arith.select %gt3A_456, %broadcast_in_dim3A_5, %broadcast_in_dim3A_3 : vector<16xi1>, vector<16xi32>
      %eq3A_458 = arith.constant 5 : i32
      %eq3A_459 = vector.broadcast %eq3A_458 : i32 to vector<16xi32>
      %eq3A_460 = arith.cmpi eq, %iota3A, %eq3A_459 : vector<16xi32>
      %select_n3A_461 = arith.select %eq3A_460, %select_n3A_457, %broadcast_in_dim3A_3 : vector<16xi1>, vector<16xi32>
      %or3A_462 = arith.ori %or3A_441, %select_n3A_461 : vector<16xi32>
      %get3A_463 = arith.constant 704 : index
      %get3A_464 = tpu.vector_load %arg4[%get3A_463] {strides = array<i32>} : memref<1024xi32, #tpu.memory_space<vmem>>, vector<16xi32>,
      %eq3A_465 = arith.constant 32000 : i32
      %eq3A_466 = vector.broadcast %eq3A_465 : i32 to vector<16xi32>
      %eq3A_467 = arith.cmpi eq, %get3A_464, %eq3A_466 : vector<16xi32>
      %get3A_468 = arith.constant 720 : index
      %get3A_469 = tpu.vector_load %arg4[%get3A_468] {strides = array<i32>} : memref<1024xi32, #tpu.memory_space<vmem>>, vector<16xi32>,
      %eq3A_470 = arith.constant 32000 : i32
      %eq3A_471 = vector.broadcast %eq3A_470 : i32 to vector<16xi32>
      %eq3A_472 = arith.cmpi eq, %get3A_469, %eq3A_471 : vector<16xi32>
      %or3A_473 = arith.ori %eq3A_467, %eq3A_472 : vector<16xi1>
      %all_reduce_population_count3A_474 = tpu.all_reduce %or3A_473 {dim = 0 : i64, kind = #tpu.reduction_kind<sum>} : vector<16xi1> -> vector<16xi32>
      %gt3A_475 = arith.constant 0 : i32
      %gt3A_476 = vector.broadcast %gt3A_475 : i32 to vector<16xi32>
      %gt3A_477 = arith.cmpi sgt, %all_reduce_population_count3A_474, %gt3A_476 : vector<16xi32>
      %select_n3A_478 = arith.select %gt3A_477, %broadcast_in_dim3A_5, %broadcast_in_dim3A_3 : vector<16xi1>, vector<16xi32>
      %eq3A_479 = arith.constant 6 : i32
      %eq3A_480 = vector.broadcast %eq3A_479 : i32 to vector<16xi32>
      %eq3A_481 = arith.cmpi eq, %iota3A, %eq3A_480 : vector<16xi32>
      %select_n3A_482 = arith.select %eq3A_481, %select_n3A_478, %broadcast_in_dim3A_3 : vector<16xi1>, vector<16xi32>
      %or3A_483 = arith.ori %or3A_462, %select_n3A_482 : vector<16xi32>
      %get3A_484 = arith.constant 736 : index
      %get3A_485 = tpu.vector_load %arg4[%get3A_484] {strides = array<i32>} : memref<1024xi32, #tpu.memory_space<vmem>>, vector<16xi32>,
      %eq3A_486 = arith.constant 32000 : i32
      %eq3A_487 = vector.broadcast %eq3A_486 : i32 to vector<16xi32>
      %eq3A_488 = arith.cmpi eq, %get3A_485, %eq3A_487 : vector<16xi32>
      %get3A_489 = arith.constant 752 : index
      %get3A_490 = tpu.vector_load %arg4[%get3A_489] {strides = array<i32>} : memref<1024xi32, #tpu.memory_space<vmem>>, vector<16xi32>,
      %eq3A_491 = arith.constant 32000 : i32
      %eq3A_492 = vector.broadcast %eq3A_491 : i32 to vector<16xi32>
      %eq3A_493 = arith.cmpi eq, %get3A_490, %eq3A_492 : vector<16xi32>
      %or3A_494 = arith.ori %eq3A_488, %eq3A_493 : vector<16xi1>
      %all_reduce_population_count3A_495 = tpu.all_reduce %or3A_494 {dim = 0 : i64, kind = #tpu.reduction_kind<sum>} : vector<16xi1> -> vector<16xi32>
      %gt3A_496 = arith.constant 0 : i32
      %gt3A_497 = vector.broadcast %gt3A_496 : i32 to vector<16xi32>
      %gt3A_498 = arith.cmpi sgt, %all_reduce_population_count3A_495, %gt3A_497 : vector<16xi32>
      %select_n3A_499 = arith.select %gt3A_498, %broadcast_in_dim3A_5, %broadcast_in_dim3A_3 : vector<16xi1>, vector<16xi32>
      %eq3A_500 = arith.constant 7 : i32
      %eq3A_501 = vector.broadcast %eq3A_500 : i32 to vector<16xi32>
      %eq3A_502 = arith.cmpi eq, %iota3A, %eq3A_501 : vector<16xi32>
      %select_n3A_503 = arith.select %eq3A_502, %select_n3A_499, %broadcast_in_dim3A_3 : vector<16xi1>, vector<16xi32>
      %or3A_504 = arith.ori %or3A_483, %select_n3A_503 : vector<16xi32>
      %get3A_505 = arith.constant 768 : index
      %get3A_506 = tpu.vector_load %arg4[%get3A_505] {strides = array<i32>} : memref<1024xi32, #tpu.memory_space<vmem>>, vector<16xi32>,
      %eq3A_507 = arith.constant 32000 : i32
      %eq3A_508 = vector.broadcast %eq3A_507 : i32 to vector<16xi32>
      %eq3A_509 = arith.cmpi eq, %get3A_506, %eq3A_508 : vector<16xi32>
      %get3A_510 = arith.constant 784 : index
      %get3A_511 = tpu.vector_load %arg4[%get3A_510] {strides = array<i32>} : memref<1024xi32, #tpu.memory_space<vmem>>, vector<16xi32>,
      %eq3A_512 = arith.constant 32000 : i32
      %eq3A_513 = vector.broadcast %eq3A_512 : i32 to vector<16xi32>
      %eq3A_514 = arith.cmpi eq, %get3A_511, %eq3A_513 : vector<16xi32>
      %or3A_515 = arith.ori %eq3A_509, %eq3A_514 : vector<16xi1>
      %all_reduce_population_count3A_516 = tpu.all_reduce %or3A_515 {dim = 0 : i64, kind = #tpu.reduction_kind<sum>} : vector<16xi1> -> vector<16xi32>
      %gt3A_517 = arith.constant 0 : i32
      %gt3A_518 = vector.broadcast %gt3A_517 : i32 to vector<16xi32>
      %gt3A_519 = arith.cmpi sgt, %all_reduce_population_count3A_516, %gt3A_518 : vector<16xi32>
      %select_n3A_520 = arith.select %gt3A_519, %broadcast_in_dim3A_5, %broadcast_in_dim3A_3 : vector<16xi1>, vector<16xi32>
      %eq3A_521 = arith.constant 8 : i32
      %eq3A_522 = vector.broadcast %eq3A_521 : i32 to vector<16xi32>
      %eq3A_523 = arith.cmpi eq, %iota3A, %eq3A_522 : vector<16xi32>
      %select_n3A_524 = arith.select %eq3A_523, %select_n3A_520, %broadcast_in_dim3A_3 : vector<16xi1>, vector<16xi32>
      %or3A_525 = arith.ori %or3A_504, %select_n3A_524 : vector<16xi32>
      %get3A_526 = arith.constant 800 : index
      %get3A_527 = tpu.vector_load %arg4[%get3A_526] {strides = array<i32>} : memref<1024xi32, #tpu.memory_space<vmem>>, vector<16xi32>,
      %eq3A_528 = arith.constant 32000 : i32
      %eq3A_529 = vector.broadcast %eq3A_528 : i32 to vector<16xi32>
      %eq3A_530 = arith.cmpi eq, %get3A_527, %eq3A_529 : vector<16xi32>
      %get3A_531 = arith.constant 816 : index
      %get3A_532 = tpu.vector_load %arg4[%get3A_531] {strides = array<i32>} : memref<1024xi32, #tpu.memory_space<vmem>>, vector<16xi32>,
      %eq3A_533 = arith.constant 32000 : i32
      %eq3A_534 = vector.broadcast %eq3A_533 : i32 to vector<16xi32>
      %eq3A_535 = arith.cmpi eq, %get3A_532, %eq3A_534 : vector<16xi32>
      %or3A_536 = arith.ori %eq3A_530, %eq3A_535 : vector<16xi1>
      %all_reduce_population_count3A_537 = tpu.all_reduce %or3A_536 {dim = 0 : i64, kind = #tpu.reduction_kind<sum>} : vector<16xi1> -> vector<16xi32>
      %gt3A_538 = arith.constant 0 : i32
      %gt3A_539 = vector.broadcast %gt3A_538 : i32 to vector<16xi32>
      %gt3A_540 = arith.cmpi sgt, %all_reduce_population_count3A_537, %gt3A_539 : vector<16xi32>
      %select_n3A_541 = arith.select %gt3A_540, %broadcast_in_dim3A_5, %broadcast_in_dim3A_3 : vector<16xi1>, vector<16xi32>
      %eq3A_542 = arith.constant 9 : i32
      %eq3A_543 = vector.broadcast %eq3A_542 : i32 to vector<16xi32>
      %eq3A_544 = arith.cmpi eq, %iota3A, %eq3A_543 : vector<16xi32>
      %select_n3A_545 = arith.select %eq3A_544, %select_n3A_541, %broadcast_in_dim3A_3 : vector<16xi1>, vector<16xi32>
      %or3A_546 = arith.ori %or3A_525, %select_n3A_545 : vector<16xi32>
      %get3A_547 = arith.constant 832 : index
      %get3A_548 = tpu.vector_load %arg4[%get3A_547] {strides = array<i32>} : memref<1024xi32, #tpu.memory_space<vmem>>, vector<16xi32>,
      %eq3A_549 = arith.constant 32000 : i32
      %eq3A_550 = vector.broadcast %eq3A_549 : i32 to vector<16xi32>
      %eq3A_551 = arith.cmpi eq, %get3A_548, %eq3A_550 : vector<16xi32>
      %get3A_552 = arith.constant 848 : index
      %get3A_553 = tpu.vector_load %arg4[%get3A_552] {strides = array<i32>} : memref<1024xi32, #tpu.memory_space<vmem>>, vector<16xi32>,
      %eq3A_554 = arith.constant 32000 : i32
      %eq3A_555 = vector.broadcast %eq3A_554 : i32 to vector<16xi32>
      %eq3A_556 = arith.cmpi eq, %get3A_553, %eq3A_555 : vector<16xi32>
      %or3A_557 = arith.ori %eq3A_551, %eq3A_556 : vector<16xi1>
      %all_reduce_population_count3A_558 = tpu.all_reduce %or3A_557 {dim = 0 : i64, kind = #tpu.reduction_kind<sum>} : vector<16xi1> -> vector<16xi32>
      %gt3A_559 = arith.constant 0 : i32
      %gt3A_560 = vector.broadcast %gt3A_559 : i32 to vector<16xi32>
      %gt3A_561 = arith.cmpi sgt, %all_reduce_population_count3A_558, %gt3A_560 : vector<16xi32>
      %select_n3A_562 = arith.select %gt3A_561, %broadcast_in_dim3A_5, %broadcast_in_dim3A_3 : vector<16xi1>, vector<16xi32>
      %eq3A_563 = arith.constant 10 : i32
      %eq3A_564 = vector.broadcast %eq3A_563 : i32 to vector<16xi32>
      %eq3A_565 = arith.cmpi eq, %iota3A, %eq3A_564 : vector<16xi32>
      %select_n3A_566 = arith.select %eq3A_565, %select_n3A_562, %broadcast_in_dim3A_3 : vector<16xi1>, vector<16xi32>
      %or3A_567 = arith.ori %or3A_546, %select_n3A_566 : vector<16xi32>
      %get3A_568 = arith.constant 864 : index
      %get3A_569 = tpu.vector_load %arg4[%get3A_568] {strides = array<i32>} : memref<1024xi32, #tpu.memory_space<vmem>>, vector<16xi32>,
      %eq3A_570 = arith.constant 32000 : i32
      %eq3A_571 = vector.broadcast %eq3A_570 : i32 to vector<16xi32>
      %eq3A_572 = arith.cmpi eq, %get3A_569, %eq3A_571 : vector<16xi32>
      %get3A_573 = arith.constant 880 : index
      %get3A_574 = tpu.vector_load %arg4[%get3A_573] {strides = array<i32>} : memref<1024xi32, #tpu.memory_space<vmem>>, vector<16xi32>,
      %eq3A_575 = arith.constant 32000 : i32
      %eq3A_576 = vector.broadcast %eq3A_575 : i32 to vector<16xi32>
      %eq3A_577 = arith.cmpi eq, %get3A_574, %eq3A_576 : vector<16xi32>
      %or3A_578 = arith.ori %eq3A_572, %eq3A_577 : vector<16xi1>
      %all_reduce_population_count3A_579 = tpu.all_reduce %or3A_578 {dim = 0 : i64, kind = #tpu.reduction_kind<sum>} : vector<16xi1> -> vector<16xi32>
      %gt3A_580 = arith.constant 0 : i32
      %gt3A_581 = vector.broadcast %gt3A_580 : i32 to vector<16xi32>
      %gt3A_582 = arith.cmpi sgt, %all_reduce_population_count3A_579, %gt3A_581 : vector<16xi32>
      %select_n3A_583 = arith.select %gt3A_582, %broadcast_in_dim3A_5, %broadcast_in_dim3A_3 : vector<16xi1>, vector<16xi32>
      %eq3A_584 = arith.constant 11 : i32
      %eq3A_585 = vector.broadcast %eq3A_584 : i32 to vector<16xi32>
      %eq3A_586 = arith.cmpi eq, %iota3A, %eq3A_585 : vector<16xi32>
      %select_n3A_587 = arith.select %eq3A_586, %select_n3A_583, %broadcast_in_dim3A_3 : vector<16xi1>, vector<16xi32>
      %or3A_588 = arith.ori %or3A_567, %select_n3A_587 : vector<16xi32>
      %get3A_589 = arith.constant 896 : index
      %get3A_590 = tpu.vector_load %arg4[%get3A_589] {strides = array<i32>} : memref<1024xi32, #tpu.memory_space<vmem>>, vector<16xi32>,
      %eq3A_591 = arith.constant 32000 : i32
      %eq3A_592 = vector.broadcast %eq3A_591 : i32 to vector<16xi32>
      %eq3A_593 = arith.cmpi eq, %get3A_590, %eq3A_592 : vector<16xi32>
      %get3A_594 = arith.constant 912 : index
      %get3A_595 = tpu.vector_load %arg4[%get3A_594] {strides = array<i32>} : memref<1024xi32, #tpu.memory_space<vmem>>, vector<16xi32>,
      %eq3A_596 = arith.constant 32000 : i32
      %eq3A_597 = vector.broadcast %eq3A_596 : i32 to vector<16xi32>
      %eq3A_598 = arith.cmpi eq, %get3A_595, %eq3A_597 : vector<16xi32>
      %or3A_599 = arith.ori %eq3A_593, %eq3A_598 : vector<16xi1>
      %all_reduce_population_count3A_600 = tpu.all_reduce %or3A_599 {dim = 0 : i64, kind = #tpu.reduction_kind<sum>} : vector<16xi1> -> vector<16xi32>
      %gt3A_601 = arith.constant 0 : i32
      %gt3A_602 = vector.broadcast %gt3A_601 : i32 to vector<16xi32>
      %gt3A_603 = arith.cmpi sgt, %all_reduce_population_count3A_600, %gt3A_602 : vector<16xi32>
      %select_n3A_604 = arith.select %gt3A_603, %broadcast_in_dim3A_5, %broadcast_in_dim3A_3 : vector<16xi1>, vector<16xi32>
      %eq3A_605 = arith.constant 12 : i32
      %eq3A_606 = vector.broadcast %eq3A_605 : i32 to vector<16xi32>
      %eq3A_607 = arith.cmpi eq, %iota3A, %eq3A_606 : vector<16xi32>
      %select_n3A_608 = arith.select %eq3A_607, %select_n3A_604, %broadcast_in_dim3A_3 : vector<16xi1>, vector<16xi32>
      %or3A_609 = arith.ori %or3A_588, %select_n3A_608 : vector<16xi32>
      %get3A_610 = arith.constant 928 : index
      %get3A_611 = tpu.vector_load %arg4[%get3A_610] {strides = array<i32>} : memref<1024xi32, #tpu.memory_space<vmem>>, vector<16xi32>,
      %eq3A_612 = arith.constant 32000 : i32
      %eq3A_613 = vector.broadcast %eq3A_612 : i32 to vector<16xi32>
      %eq3A_614 = arith.cmpi eq, %get3A_611, %eq3A_613 : vector<16xi32>
      %get3A_615 = arith.constant 944 : index
      %get3A_616 = tpu.vector_load %arg4[%get3A_615] {strides = array<i32>} : memref<1024xi32, #tpu.memory_space<vmem>>, vector<16xi32>,
      %eq3A_617 = arith.constant 32000 : i32
      %eq3A_618 = vector.broadcast %eq3A_617 : i32 to vector<16xi32>
      %eq3A_619 = arith.cmpi eq, %get3A_616, %eq3A_618 : vector<16xi32>
      %or3A_620 = arith.ori %eq3A_614, %eq3A_619 : vector<16xi1>
      %all_reduce_population_count3A_621 = tpu.all_reduce %or3A_620 {dim = 0 : i64, kind = #tpu.reduction_kind<sum>} : vector<16xi1> -> vector<16xi32>
      %gt3A_622 = arith.constant 0 : i32
      %gt3A_623 = vector.broadcast %gt3A_622 : i32 to vector<16xi32>
      %gt3A_624 = arith.cmpi sgt, %all_reduce_population_count3A_621, %gt3A_623 : vector<16xi32>
      %select_n3A_625 = arith.select %gt3A_624, %broadcast_in_dim3A_5, %broadcast_in_dim3A_3 : vector<16xi1>, vector<16xi32>
      %eq3A_626 = arith.constant 13 : i32
      %eq3A_627 = vector.broadcast %eq3A_626 : i32 to vector<16xi32>
      %eq3A_628 = arith.cmpi eq, %iota3A, %eq3A_627 : vector<16xi32>
      %select_n3A_629 = arith.select %eq3A_628, %select_n3A_625, %broadcast_in_dim3A_3 : vector<16xi1>, vector<16xi32>
      %or3A_630 = arith.ori %or3A_609, %select_n3A_629 : vector<16xi32>
      %get3A_631 = arith.constant 960 : index
      %get3A_632 = tpu.vector_load %arg4[%get3A_631] {strides = array<i32>} : memref<1024xi32, #tpu.memory_space<vmem>>, vector<16xi32>,
      %eq3A_633 = arith.constant 32000 : i32
      %eq3A_634 = vector.broadcast %eq3A_633 : i32 to vector<16xi32>
      %eq3A_635 = arith.cmpi eq, %get3A_632, %eq3A_634 : vector<16xi32>
      %get3A_636 = arith.constant 976 : index
      %get3A_637 = tpu.vector_load %arg4[%get3A_636] {strides = array<i32>} : memref<1024xi32, #tpu.memory_space<vmem>>, vector<16xi32>,
      %eq3A_638 = arith.constant 32000 : i32
      %eq3A_639 = vector.broadcast %eq3A_638 : i32 to vector<16xi32>
      %eq3A_640 = arith.cmpi eq, %get3A_637, %eq3A_639 : vector<16xi32>
      %or3A_641 = arith.ori %eq3A_635, %eq3A_640 : vector<16xi1>
      %all_reduce_population_count3A_642 = tpu.all_reduce %or3A_641 {dim = 0 : i64, kind = #tpu.reduction_kind<sum>} : vector<16xi1> -> vector<16xi32>
      %gt3A_643 = arith.constant 0 : i32
      %gt3A_644 = vector.broadcast %gt3A_643 : i32 to vector<16xi32>
      %gt3A_645 = arith.cmpi sgt, %all_reduce_population_count3A_642, %gt3A_644 : vector<16xi32>
      %select_n3A_646 = arith.select %gt3A_645, %broadcast_in_dim3A_5, %broadcast_in_dim3A_3 : vector<16xi1>, vector<16xi32>
      %eq3A_647 = arith.constant 14 : i32
      %eq3A_648 = vector.broadcast %eq3A_647 : i32 to vector<16xi32>
      %eq3A_649 = arith.cmpi eq, %iota3A, %eq3A_648 : vector<16xi32>
      %select_n3A_650 = arith.select %eq3A_649, %select_n3A_646, %broadcast_in_dim3A_3 : vector<16xi1>, vector<16xi32>
      %or3A_651 = arith.ori %or3A_630, %select_n3A_650 : vector<16xi32>
      %get3A_652 = arith.constant 992 : index
      %get3A_653 = tpu.vector_load %arg4[%get3A_652] {strides = array<i32>} : memref<1024xi32, #tpu.memory_space<vmem>>, vector<16xi32>,
      %eq3A_654 = arith.constant 32000 : i32
      %eq3A_655 = vector.broadcast %eq3A_654 : i32 to vector<16xi32>
      %eq3A_656 = arith.cmpi eq, %get3A_653, %eq3A_655 : vector<16xi32>
      %get3A_657 = arith.constant 1008 : index
      %get3A_658 = tpu.vector_load %arg4[%get3A_657] {strides = array<i32>} : memref<1024xi32, #tpu.memory_space<vmem>>, vector<16xi32>,
      %eq3A_659 = arith.constant 32000 : i32
      %eq3A_660 = vector.broadcast %eq3A_659 : i32 to vector<16xi32>
      %eq3A_661 = arith.cmpi eq, %get3A_658, %eq3A_660 : vector<16xi32>
      %or3A_662 = arith.ori %eq3A_656, %eq3A_661 : vector<16xi1>
      %all_reduce_population_count3A_663 = tpu.all_reduce %or3A_662 {dim = 0 : i64, kind = #tpu.reduction_kind<sum>} : vector<16xi1> -> vector<16xi32>
      %gt3A_664 = arith.constant 0 : i32
      %gt3A_665 = vector.broadcast %gt3A_664 : i32 to vector<16xi32>
      %gt3A_666 = arith.cmpi sgt, %all_reduce_population_count3A_663, %gt3A_665 : vector<16xi32>
      %select_n3A_667 = arith.select %gt3A_666, %broadcast_in_dim3A_5, %broadcast_in_dim3A_3 : vector<16xi1>, vector<16xi32>
      %eq3A_668 = arith.constant 15 : i32
      %eq3A_669 = vector.broadcast %eq3A_668 : i32 to vector<16xi32>
      %eq3A_670 = arith.cmpi eq, %iota3A, %eq3A_669 : vector<16xi32>
      %select_n3A_671 = arith.select %eq3A_670, %select_n3A_667, %broadcast_in_dim3A_3 : vector<16xi1>, vector<16xi32>
      %or3A_672 = arith.ori %or3A_651, %select_n3A_671 : vector<16xi32>
      %swap3A = arith.constant 0 : index
      %swap3A_673 = tpu.vector_load %arg5[%swap3A] {strides = array<i32>} : memref<32xi32, #tpu.memory_space<vmem>>, vector<16xi32>,
      tpu.vector_store %arg5[%swap3A], %or3A_336 {strides = array<i32>} : memref<32xi32, #tpu.memory_space<vmem>>, vector<16xi32>,
      %swap3A_674 = arith.constant 16 : index
      %swap3A_675 = tpu.vector_load %arg5[%swap3A_674] {strides = array<i32>} : memref<32xi32, #tpu.memory_space<vmem>>, vector<16xi32>,
      tpu.vector_store %arg5[%swap3A_674], %or3A_672 {strides = array<i32>} : memref<32xi32, #tpu.memory_space<vmem>>, vector<16xi32>,
      "tpu.region"() ({
        %run_scoped3A = tpu.sem_alloc : memref<!tpu.dma_semaphore, #tpu.memory_space<semaphore_mem>>
        tpu.enqueue_dma source(%arg5 : memref<32xi32, #tpu.memory_space<vmem>>) target(%arg3 : memref<32xi32, #tpu.memory_space<hbm>>) target_semaphore(%run_scoped3A : memref<!tpu.dma_semaphore, #tpu.memory_space<semaphore_mem>>)
        tpu.wait_dma2 semaphore(%run_scoped3A : memref<!tpu.dma_semaphore, #tpu.memory_space<semaphore_mem>>) src(%arg5 : memref<32xi32, #tpu.memory_space<vmem>>) dst(%arg3 : memref<32xi32, #tpu.memory_space<hbm>>)
        tpu.yield
      }) : () -> ()
    } else {
    }
    return
  }
}

module attributes {stable_mosaic.version = 14 : i64} {
  func.func @_fill_body(%arg0: i32, %arg1: memref<32x1xi32, #tpu.memory_space<vmem>>, %arg2: memref<32x32001xf32, #tpu.memory_space<vmem>>) attributes {dimension_semantics = [#tpu.dimension_semantics<arbitrary>], iteration_bounds = array<i64: 32>, scalar_prefetch = 0 : i64, scratch_operands = 0 : i64, tpu.core_type = #tpu.core_type<tc>, window_params = [{transform_indices = @transform_0, window_bounds = array<i64: 32, 1>}, {transform_indices = @transform_1, window_bounds = array<i64: 32, 32001>}]} {
    %get3A = arith.constant 0 : index
    %get3A_0 = arith.constant 0 : index
    %get3A_1 = vector.load %arg1[%get3A, %get3A_0] : memref<32x1xi32, #tpu.memory_space<vmem>>, vector<32x1xi32>
    %iota3A = tpu.iota {dimensions = array<i32: 1>} : vector<32x32001xi32>
    %eq3A = vector.broadcast %get3A_1 : vector<32x1xi32> to vector<32x32001xi32>
    %eq3A_2 = arith.cmpi eq, %iota3A, %eq3A : vector<32x32001xi32>
    %jit3A = arith.constant 0.000000e+00 : f32
    %jit3A_3 = arith.constant 0xFF800000 : f32
    %broadcast_in_dim3A = vector.broadcast %jit3A : f32 to vector<32x32001xf32>
    %broadcast_in_dim3A_4 = vector.broadcast %jit3A_3 : f32 to vector<32x32001xf32>
    %select_n3A = arith.select %eq3A_2, %broadcast_in_dim3A, %broadcast_in_dim3A_4 : vector<32x32001xi1>, vector<32x32001xf32>
    %swap3A = arith.constant 0 : index
    %swap3A_5 = arith.constant 0 : index
    %swap3A_6 = vector.load %arg2[%swap3A, %swap3A_5] : memref<32x32001xf32, #tpu.memory_space<vmem>>, vector<32x32001xf32>
    tpu.vector_store %arg2[%swap3A, %swap3A_5], %select_n3A {strides = array<i32>} : memref<32x32001xf32, #tpu.memory_space<vmem>>, vector<32x32001xf32>,
    return
  }
  func.func @transform_0(%arg0: i32) -> (i32, i32) {
    %c0_i32 = arith.constant 0 : i32
    %c0_i32_0 = arith.constant 0 : i32
    return %arg0, %c0_i32 : i32, i32
  }
  func.func @transform_1(%arg0: i32) -> (i32, i32) {
    %c0_i32 = arith.constant 0 : i32
    %c0_i32_0 = arith.constant 0 : i32
    return %arg0, %c0_i32 : i32, i32
  }
}

module attributes {stable_mosaic.version = 14 : i64} {
  func.func @_patch_body(%arg0: memref<32xi32, #tpu.memory_space<smem>>, %arg1: memref<1024x1xi32, #tpu.memory_space<vmem>>, %arg2: memref<1024x32001xf32, #tpu.memory_space<any>>, %arg3: memref<1024x32001xf32, #tpu.memory_space<any>>, %arg4: memref<1024x32001xf32, #tpu.memory_space<any>>, %arg5: memref<32x32001xf32, #tpu.memory_space<vmem>>, %arg6: memref<32x32001xf32, #tpu.memory_space<vmem>>, %arg7: memref<!tpu.dma_semaphore, #tpu.memory_space<semaphore_mem>>, %arg8: memref<!tpu.dma_semaphore, #tpu.memory_space<semaphore_mem>>) attributes {dimension_semantics = [], scalar_prefetch = 0 : i64, scratch_operands = 4 : i64, tpu.core_type = #tpu.core_type<tc>} {
    %scan3A = arith.constant 0 : i32
    %scan3A_0 = arith.constant 32 : i32
    %scan3A_1 = arith.addi %scan3A, %scan3A_0 : i32
    %scan3A_2 = arith.constant 1 : i32
    scf.for %scan3A_4 = %scan3A to %scan3A_1 step %scan3A_2  : i32 {
      %get3A = arith.index_cast %scan3A_4 : i32 to index
      %get3A_5 = memref.load %arg0[%get3A] : memref<32xi32, #tpu.memory_space<smem>>
      %ne3A = arith.constant 0 : i32
      %ne3A_6 = arith.cmpi ne, %get3A_5, %ne3A : i32
      %convert_element_type3A = arith.extui %ne3A_6 : i1 to i32
      %cond3A = arith.constant 0 : i32
      %cond3A_7 = arith.cmpi ne, %convert_element_type3A, %cond3A : i32
      scf.if %cond3A_7 {
        %mul3A = arith.constant 32 : i32
        %mul3A_8 = arith.muli %scan3A_4, %mul3A : i32
        %dma_start3A = arith.constant 0 : i32
        %dma_start3A_9 = tpu.memref_slice %arg2[%mul3A_8, %dma_start3A] : memref<1024x32001xf32, #tpu.memory_space<any>> -> memref<32x32001xf32, #tpu.memory_space<any>>
        tpu.enqueue_dma source(%dma_start3A_9 : memref<32x32001xf32, #tpu.memory_space<any>>) target(%arg5 : memref<32x32001xf32, #tpu.memory_space<vmem>>) target_semaphore(%arg7 : memref<!tpu.dma_semaphore, #tpu.memory_space<semaphore_mem>>)
        %mul3A_10 = arith.constant 32 : i32
        %mul3A_11 = arith.muli %scan3A_4, %mul3A_10 : i32
        %get3A_12 = arith.index_cast %mul3A_11 : i32 to index
        %get3A_13 = arith.constant 0 : index
        %get3A_14 = vector.load %arg1[%get3A_12, %get3A_13] : memref<1024x1xi32, #tpu.memory_space<vmem>>, vector<32x1xi32>
        %iota3A = tpu.iota {dimensions = array<i32: 1>} : vector<32x32001xi32>
        %eq3A = vector.broadcast %get3A_14 : vector<32x1xi32> to vector<32x32001xi32>
        %eq3A_15 = arith.cmpi eq, %iota3A, %eq3A : vector<32x32001xi32>
        %jit3A = arith.constant 0.000000e+00 : f32
        %jit3A_16 = arith.constant 0xFF800000 : f32
        %broadcast_in_dim3A = vector.broadcast %jit3A : f32 to vector<32x32001xf32>
        %broadcast_in_dim3A_17 = vector.broadcast %jit3A_16 : f32 to vector<32x32001xf32>
        %select_n3A = arith.select %eq3A_15, %broadcast_in_dim3A, %broadcast_in_dim3A_17 : vector<32x32001xi1>, vector<32x32001xf32>
        %mul3A_18 = arith.constant 32 : i32
        %mul3A_19 = arith.muli %scan3A_4, %mul3A_18 : i32
        %dma_wait3A = arith.constant 0 : i32
        %dma_wait3A_20 = tpu.memref_slice %arg2[%mul3A_19, %dma_wait3A] : memref<1024x32001xf32, #tpu.memory_space<any>> -> memref<32x32001xf32, #tpu.memory_space<any>>
        tpu.wait_dma2 semaphore(%arg7 : memref<!tpu.dma_semaphore, #tpu.memory_space<semaphore_mem>>) src(%dma_wait3A_20 : memref<32x32001xf32, #tpu.memory_space<any>>) dst(%arg5 : memref<32x32001xf32, #tpu.memory_space<vmem>>)
        %get3A_21 = arith.constant 0 : index
        %get3A_22 = arith.constant 0 : index
        %get3A_23 = vector.load %arg5[%get3A_21, %get3A_22] : memref<32x32001xf32, #tpu.memory_space<vmem>>, vector<32x32001xf32>
        %lt3A = arith.constant 32000 : i32
        %lt3A_24 = vector.broadcast %lt3A : i32 to vector<32x32001xi32>
        %lt3A_25 = arith.cmpi slt, %iota3A, %lt3A_24 : vector<32x32001xi32>
        %jit3A_26 = arith.constant 0xFF800000 : f32
        %broadcast_in_dim3A_27 = vector.broadcast %jit3A_26 : f32 to vector<32x32001xf32>
        %select_n3A_28 = arith.select %lt3A_25, %get3A_23, %broadcast_in_dim3A_27 : vector<32x32001xi1>, vector<32x32001xf32>
        %reduce_max3A = arith.constant dense<0xFF800000> : vector<32xf32>
        %reduce_max3A_29 = vector.multi_reduction <maximumf>, %select_n3A_28, %reduce_max3A [1] : vector<32x32001xf32> to vector<32xf32>
        %broadcast_in_dim3A_30 = vector.shape_cast %reduce_max3A_29 : vector<32xf32> to vector<32x1xf32>
        %sub3A = vector.broadcast %broadcast_in_dim3A_30 : vector<32x1xf32> to vector<32x32001xf32>
        %sub3A_31 = arith.subf %select_n3A_28, %sub3A : vector<32x32001xf32>
        %exp3A = math.exp %sub3A_31 : vector<32x32001xf32>
        %reduce_sum3A = arith.constant dense<0.000000e+00> : vector<32xf32>
        %reduce_sum3A_32 = vector.multi_reduction <add>, %exp3A, %reduce_sum3A [1] : vector<32x32001xf32> to vector<32xf32>
        %broadcast_in_dim3A_33 = vector.shape_cast %reduce_sum3A_32 : vector<32xf32> to vector<32x1xf32>
        %log3A = math.log %broadcast_in_dim3A_33 : vector<32x1xf32>
        %add3A = arith.addf %broadcast_in_dim3A_30, %log3A : vector<32x1xf32>
        %sub3A_34 = vector.broadcast %add3A : vector<32x1xf32> to vector<32x32001xf32>
        %sub3A_35 = arith.subf %get3A_23, %sub3A_34 : vector<32x32001xf32>
        %jit3A_36 = arith.constant 0xFF800000 : f32
        %broadcast_in_dim3A_37 = vector.broadcast %jit3A_36 : f32 to vector<32x32001xf32>
        %select_n3A_38 = arith.select %lt3A_25, %sub3A_35, %broadcast_in_dim3A_37 : vector<32x32001xi1>, vector<32x32001xf32>
        %ne3A_39 = arith.constant 32000 : i32
        %ne3A_40 = vector.broadcast %ne3A_39 : i32 to vector<32x1xi32>
        %ne3A_41 = arith.cmpi ne, %get3A_14, %ne3A_40 : vector<32x1xi32>
        %broadcast_in_dim3A_42 = vector.shape_cast %ne3A_41 : vector<32x1xi1> to vector<32x1xi1>
        %broadcast_in_dim3A_43 = vector.broadcast %broadcast_in_dim3A_42 : vector<32x1xi1> to vector<32x32001xi1>
        %select_n3A_44 = arith.select %broadcast_in_dim3A_43, %select_n3A, %select_n3A_38 : vector<32x32001xi1>, vector<32x32001xf32>
        %swap3A = arith.constant 0 : index
        %swap3A_45 = arith.constant 0 : index
        %swap3A_46 = vector.load %arg6[%swap3A, %swap3A_45] : memref<32x32001xf32, #tpu.memory_space<vmem>>, vector<32x32001xf32>
        tpu.vector_store %arg6[%swap3A, %swap3A_45], %select_n3A_44 {strides = array<i32>} : memref<32x32001xf32, #tpu.memory_space<vmem>>, vector<32x32001xf32>,
        %mul3A_47 = arith.constant 32 : i32
        %mul3A_48 = arith.muli %scan3A_4, %mul3A_47 : i32
        %dma_start3A_49 = arith.constant 0 : i32
        %dma_start3A_50 = tpu.memref_slice %arg4[%mul3A_48, %dma_start3A_49] : memref<1024x32001xf32, #tpu.memory_space<any>> -> memref<32x32001xf32, #tpu.memory_space<any>>
        tpu.enqueue_dma source(%arg6 : memref<32x32001xf32, #tpu.memory_space<vmem>>) target(%dma_start3A_50 : memref<32x32001xf32, #tpu.memory_space<any>>) target_semaphore(%arg8 : memref<!tpu.dma_semaphore, #tpu.memory_space<semaphore_mem>>)
        %dma_wait3A_51 = arith.constant 0 : i32
        %dma_wait3A_52 = tpu.memref_slice %arg4[%mul3A_48, %dma_wait3A_51] : memref<1024x32001xf32, #tpu.memory_space<any>> -> memref<32x32001xf32, #tpu.memory_space<any>>
        tpu.wait_dma2 semaphore(%arg8 : memref<!tpu.dma_semaphore, #tpu.memory_space<semaphore_mem>>) src(%arg6 : memref<32x32001xf32, #tpu.memory_space<vmem>>) dst(%dma_wait3A_52 : memref<32x32001xf32, #tpu.memory_space<any>>)
      } else {
      }
    }
    %scan3A_3 = arith.constant 32 : i32
    return
  }
}

</mosaic_0001>

<sc_bundles>
// kernel: kernel.5.cloned.1.call-start
scs
__scs_entry_jumppad:
0x0: {  	(pc) =	sbr.rel $0x88, $3  }
0x1: {  	(tag) =	ssettag $0x0;
	lr =	simm.s32 $0x1  }
0x2: {  	[smem:$0x3F9F] =	sst lr;
	_ =	strace $0xD0000000  }
0x3: {  	_ = 	snop  }
0x4: {  	_ = 	snop  }
0x5: {  	_ = 	snop  }
0x6: {  	_ = 	snop  }
0x7: {  	_ = 	snop  }
__scs_overlays_trampoline_lowered:
0x8: {  	[smem:$0x3FAE] =	sst s0  }
0x9: {  	[smem:$0x3FAF] =	sst s1  }
0xa: {  	[smem:$0x3FB0] =	sst s2  }
0xb: {  	[smem:$0x3FB1] =	sst s3  }
0xc: {  	[smem:$0x3FB2] =	sst s4  }
0xd: {  	[smem:$0x3FB3] =	sst s5  }
0xe: {  	[smem:$0x3FB4] =	sst s6  }
0xf: {  	[smem:$0x3FB5] =	sst s7  }
0x10: {  	[smem:$0x3FB6] =	sst s8  }
0x11: {  	[smem:$0x3FB7] =	sst s9;
	s0 =	simm.s32 @!p0 $0x0  }
0x12: {  	s1 =	sld [smem:$0x3F9D];
	s0 =	simm.s32 @p0 $0x1  }
0x13: {  	[smem:$0x3FB8] =	sst s0;
	s0 =	simm.s32 @!p1 $0x0  }
0x14: {  	s2 =	sld [smem:$0x3F9C];
	s0 =	simm.s32 @p1 $0x1  }
0x15: {  	[smem:$0x3FB9] =	sst s0;
	s0 =	simm.s32 @!p2 $0x0  }
0x16: {  	s3 =	sld [smem:$0x3FDB];
	s0 =	simm.s32 @p2 $0x1  }
0x17: {  	s4 =	simm.s32 $0x1BF5;
	[smem:$0x3FBB] =	sst s0  }
0x18: {  	s0 =	sld [smem:$0x3F9E];
	_ =	swait.ge [sflag:s4], $0x0  }
0x19: {  	s7 =	sld [smem:$0x3F9F]  }
0x1a: {  	s8 =	sadd.s32 $0xFFFFE003, lr  }
0x1b: {  	s9 =	sadd.s32 $0xFFFFFEF7, lr;
	s5 =	simm.s32 $0xFFFFFFFF;
	p2 =	slt.u32 s8, $0xFFFFF086  }
0x1c: {  	p1 =	slt.u32 s9, $0xF7A;
	s5 =	simm.s32 @!p2 $0x0  }
0x1d: {  	s5 =	simm.s32 @p1 $0x1;
	p0 =	seq.s32 s7, s2  }
0x1e: {  	s7 =	smul.u32 @!p0 $0xF7A, s2;
	p2 =	seq.s32 @!p0 s5, $0x0  }
0x1f: {  	s9 =	smul.u32 $0xF7A, s1;
	s8 =	simm.s32 @!p0 $0x1BF5;
	p2 =	por !p2, p0  }
0x20: {  	[sflag:s8] =	ssyncset.s32 @!p0 $0xFFFFF086;
	s6 =	sadd.s32 @!p0 s3, s7;
	s7 =	simm.s32 @!p0 $0x108  }
0x21: {  	s3 =	sadd.s32 s3, s9;
	s6 =	sadd.s32 @!p0 $0x88, s6;
	s7 =	simm.s32 @p2 $0x1082  }
0x22: {  	[simem:s7], [sflag:s8] =	dma.local @!p0 [hbm:s6], $0xF7A  }
0x23: {  	s9 =	sor.u32 $0xD0000000, s2;
	s6 =	simm.s32 $0x108;
	_ =	swait.ge @!p0 [sflag:s8], $0x0  }
0x24: {  	s3 =	sadd.s32 $0x88, s3;
	s6 =	simm.s32 @!p1 $0x1082;
	[sflag:s4] =	ssyncset.s32 $0xFFFFF086  }
0x25: {  	[simem:s6], [sflag:s4] =	dma.local [hbm:s3], $0xF7A  }
0x26: {  	[smem:$0x3F9F] =	sst s1;
	(tag) =	ssettag s2;
	_ =	strace s9  }
0x27: {  	s1 =	sld [smem:$0x3FAF]  }
0x28: {  	s2 =	sld [smem:$0x3FB0]  }
0x29: {  	s4 =	sld [smem:$0x3FB2]  }
0x2a: {  	p0 =	seq.s32 s5, $0x0;
	s5 =	sld [smem:$0x3FB3]  }
0x2b: {  	s6 =	sld [smem:$0x3FB4]  }
0x2c: {  	s7 =	sld [smem:$0x3FB5]  }
0x2d: {  	s3 =	simm.s32 $0x108;
	s8 =	sld [smem:$0x3FB6]  }
0x2e: {  	s3 =	simm.s32 @!p0 $0x1082;
	s9 =	sld [smem:$0x3FB7]  }
0x2f: {  	lr =	sadd.s32 s0, s3;
	s0 =	sld [smem:$0x3FAE]  }
0x30: {  	s3 =	sld [smem:$0x3FB1]  }
0x31: {  	[smem:$0x3FBA] =	sst s10  }
0x32: {  	s10 =	sld [smem:$0x3FB8];
	_ =	sdelay $0x3  }
0x33: {  	p0 =	seq.s32 s10, $0x1;
	s10 =	sld [smem:$0x3FBA];
	_ =	sdelay $0x3  }
0x34: {  	[smem:$0x3FBA] =	sst s10  }
0x35: {  	s10 =	sld [smem:$0x3FB9];
	_ =	sdelay $0x3  }
0x36: {  	p1 =	seq.s32 s10, $0x1;
	s10 =	sld [smem:$0x3FBA];
	_ =	sdelay $0x3  }
0x37: {  	[smem:$0x3FBA] =	sst s10  }
0x38: {  	s10 =	sld [smem:$0x3FBB]  }
0x39: {  	_ = 	snop;
	(pc) =	sbr.ind lr, $3  }
0x3a: {  	_ = 	snop  }
0x3b: {  	_ = 	snop  }
0x3c: {  	p2 =	seq.s32 s10, $0x1;
	s10 =	sld [smem:$0x3FBA]  }
0x3d: {  	_ =	shalt  }
0x3e: {  	_ =	shalt  }
0x3f: {  	_ =	shalt  }
0x40: {  	_ =	shalt  }
0x41: {  	_ =	shalt  }
0x42: {  	_ =	shalt  }
0x43: {  	_ =	shalt  }
0x44: {  	_ =	shalt  }
0x45: {  	_ =	shalt  }
0x46: {  	_ =	shalt  }
0x47: {  	_ =	shalt  }
0x48: {  	_ =	shalt  }
0x49: {  	_ =	shalt  }
0x4a: {  	_ =	shalt  }
0x4b: {  	_ =	shalt  }
0x4c: {  	_ =	shalt  }
0x4d: {  	_ =	shalt  }
0x4e: {  	_ =	shalt  }
0x4f: {  	_ =	shalt  }
0x50: {  	_ =	shalt  }
0x51: {  	_ =	shalt  }
0x52: {  	_ =	shalt  }
0x53: {  	_ =	shalt  }
0x54: {  	_ =	shalt  }
0x55: {  	_ =	shalt  }
0x56: {  	_ =	shalt  }
0x57: {  	_ =	shalt  }
0x58: {  	_ =	shalt  }
0x59: {  	_ =	shalt  }
0x5a: {  	_ =	shalt  }
0x5b: {  	_ =	shalt  }
0x5c: {  	_ =	shalt  }
0x5d: {  	_ =	shalt  }
0x5e: {  	_ =	shalt  }
0x5f: {  	_ =	shalt  }
0x60: {  	_ =	shalt  }
0x61: {  	_ =	shalt  }
0x62: {  	_ =	shalt  }
0x63: {  	_ =	shalt  }
0x64: {  	_ =	shalt  }
0x65: {  	_ =	shalt  }
0x66: {  	_ =	shalt  }
0x67: {  	_ =	shalt  }
0x68: {  	_ =	shalt  }
0x69: {  	_ =	shalt  }
0x6a: {  	_ =	shalt  }
0x6b: {  	_ =	shalt  }
0x6c: {  	_ =	shalt  }
0x6d: {  	_ =	shalt  }
0x6e: {  	_ =	shalt  }
0x6f: {  	_ =	shalt  }
0x70: {  	_ =	shalt  }
0x71: {  	_ =	shalt  }
0x72: {  	_ =	shalt  }
0x73: {  	_ =	shalt  }
0x74: {  	_ =	shalt  }
0x75: {  	_ =	shalt  }
0x76: {  	_ =	shalt  }
0x77: {  	_ =	shalt  }
0x78: {  	_ =	shalt  }
0x79: {  	_ =	shalt  }
0x7a: {  	_ =	shalt  }
0x7b: {  	_ =	shalt  }
0x7c: {  	_ =	shalt  }
0x7d: {  	_ =	shalt  }
0x7e: {  	_ =	shalt  }
0x7f: {  	_ =	shalt  }
0x80: {  	_ =	shalt  }
0x81: {  	_ =	shalt  }
0x82: {  	_ =	shalt  }
0x83: {  	_ =	shalt  }
0x84: {  	_ =	shalt  }
0x85: {  	_ =	shalt  }
0x86: {  	_ =	shalt  }
0x87: {  	_ =	shalt  }
.Lfunc_end0:
.L_simem_size_0:
called_computation_lowered:
.L_overlay_start_0:
0x88: {  	s2 =	sld [smem:$0x3FD9]  }
0x89: {  	s3 =	sld [smem:$0x3FFE];
	_ =	sdelay $0x1  }
0x8a: {  	s1 =	srdreg.scid  }
0x8b: {  	s0 =	sand.u32 $0x1, s1  }
0x8c: {  	s16 =	sshll.u32 s0, $0xA;
	s2 =	sadd.s32 s3, s2  }
0x8d: {  	s2 =	sadd.s32 s2, s16  }
0x8e: {  	[smem:$0x3FC6] =	sst s2  }
0x8f: {  	_ = 	snop  }
0x90: {  	(tm) =	ssettm $0x1  }
0x91: {  	s17 =	sld [smem:$0x3FFB];
	_ =	sdelay $0x3  }
0x92: {  	_ =	strace s17  }
0x93: {  	s2 =	sld [smem:$0x3FFC];
	_ =	sdelay $0x3  }
0x94: {  	_ =	strace s2  }
0x95: {  	s2 =	sld [smem:$0x3FFD];
	_ =	sdelay $0x3  }
0x96: {  	_ =	strace s2  }
0x97: {  	_ =	strace $0x8FFFFFFF  }
0x98: {  	s18 =	sld [smem:$0x3FDB];
	_ =	sdelay $0x1  }
0x99: {  	s19 =	simm.s32 $_scs_section_size  }
0x9a: {  	s4 =	simm.s32 $_size__tile_overlayer_lowered;
	s5 =	simm.s32 $_tile_overlayer_lowered  }
0x9b: {  	s22 =	simm.s32 $0x1BFF;
	s21 =	sshll.u32 s5, $0x1;
	s2 =	sadd.s32 s19, s18  }
0x9c: {  	s6 =	simm.s32 $0x0;
	s20 =	sshll.u32 s4, $0x1;
	s4 =	sadd.s32 s21, s2  }
0x9d: {  	[timem:s6], [sflag:s22] =	dma.local [hbm:s4], s20  }
0x9e: {  	_ =	swait.ge [sflag:s22], s20  }
0x9f: {  	s3 =	ssub.s32 $0x0, s20;
	[sflag:s22] =	ssyncset.done $0x0  }
0xa0: {  	[sflag:s22] =	ssyncadd.s32 s3;
	_ =	sdelay $0x1  }
0xa1: {  	s23 =	simm.s32 $0x1B8B  }
0xa2: {  	_ =	swait.ge [sflag:s23], $0x1  }
0xa3: {  	[sflag:s23] =	ssyncset.done $0x0  }
0xa4: {  	s25 =	simm.s32 $0x1B8E;
	s24 =	sld [smem:$0x3FFE];
	[sflag:s23] =	ssyncadd.s32 $0xFFFFFFFF  }
0xa5: {  	s26 =	simm.s32 $execute0_lowered;
	[smem:$0x3FD2] =	sst s25  }
0xa6: {  	s4 =	sshll.u32 s26, $0x1;
	_ =	strace $0x80000046;
	[dreg:$0x1] =	wrdreg $0xFFFFFFFF  }
0xa7: {  	s28 =	simm.s32 $_size_execute0_lowered;
	s2 =	sadd.s32 s2, s4;
	[dreg:$0x0] =	wrdreg $0x0  }
0xa8: {  	s4 =	sshll.u32 s28, $0x1;
	[dreg:$0x2] =	wrdreg s2  }
0xa9: {  	[dreg:$0x3] =	wrdreg s4  }
0xaa: {  	[dreg:$0x4] =	wrdreg $0xC0  }
0xab: {  	_ =	task [dreg:s6], $0x5FFFF  }
0xac: {  	[dreg:$0x1] =	wrdreg $0xFFFFFFFF  }
0xad: {  	[dreg:$0x0] =	wrdreg $0x60  }
0xae: {  	[dreg:$0x2] =	wrdreg s24  }
0xaf: {  	[dreg:$0x3] =	wrdreg $0x9  }
0xb0: {  	_ =	task.clear_ibuf [dreg:s6], $0x4FFFF;
	_ =	strace $0x90000046  }
0xb1: {  	s29 =	simm.s32 $0x9;
	_ =	strace $0x80000048  }
0xb2: {  	_ =	swait.ge [sflag:s29], $0x1  }
0xb3: {  	[sflag:s29] =	ssyncadd.s32 $0xFFFFFFFF  }
0xb4: {  	_ =	strace $0x90000048  }
0xb5: {  	_ =	sfence  }
0xb6: {  	s30 =	sld [smem:$0x0];
	_ =	sdelay $0x2  }
0xb7: {  	s31 =	sshll.u32 s1, $0xD;
	s1 =	sshrl.u32 s1, $0x2  }
0xb8: {  	s3 =	sand.u32 $0x4000, s31;
	s1 =	sadd.s32 s1, s30  }
0xb9: {  	s0 =	sor.u32 s3, s0;
	s1 =	sshll.u32 s1, $0x11  }
0xba: {  	s0 =	sor.u32 s1, s0  }
0xbb: {  	s0 =	sadd.s32 $0x8F2B, s0  }
0xbc: {  	[sflag:s0] =	ssyncadd.remote.s32 $0x1  }
0xbd: {  	_ =	sfence.sel $0xFFFF  }
0xbe: {  	[dreg:$0x0] =	wrdreg $0xFFFFFFFF;
	(pc) =	sbr.abs _section_cstart, $3  }
0xbf: {  	[dreg:$0x1] =	wrdreg $0xFFFFFFFF  }
0xc0: {  	_ =	task.clear_ibuf [dreg:s6], $0x2FFFF;
	_ =	strace $0x9FFFFFFF  }
0xc1: {  	(tm) =	ssettm $0x7FFFFFFF  }
tec
execute0_lowered:
.L_overlay_start_1:
0x0: {  	(tag) =	ssettag $0x1  }
0x1: {  	s0 =	srdreg.scid  }
0x2: {  	s2 =	sand.u32 $0x1, s0;
	s0 =	stileid.u32  }
0x3: {  	s4 =	sshll.u32 s0, $0x1;
	s5 =	ssub.s32 $0x0, s2  }
0x4: {  	p0 =	sne.s32 s4, s5  }
.Ltmp0:
0x5: {  	_ = 	snop;
	(pc) =	sbr.rel @p0 .LBB2_3-.Ltmp0, $3  }
0x6: {  	_ =	sdelay $0x1  }
0x7: {  	s3 =	rddreg [dreg:$0x0]  }
0x8: {  	s1 =	rddreg [dreg:$0x1];
	_ =	strace $0x80000047  }
0x9: {  	v0 =	vimm.s32 $0x0;
	vm0 =	vmmov $0x1;
	s2 =	ssub.s32 $0x2, s2;
	vm9 =	vcmask $0x2328  }
0xa: {  	vm10 =	vcmask $0x272C;
	vm11 =	vcmask $0x2B30;
	vm12 =	vcmask $0x2F34;
	s5 =	simm.s32 $0x0;
	s4 =	sshrl.u32 s2, $0x1  }
0xb: {  	s6 =	simm.s32 $0x1;
	vm13 =	vcmask $0x3338;
	vm14 =	vcmask $0x373C;
	vm15 =	vmmov $0x7fff;
	s7 =	simm.s32 $0x400;
	s4 =	ssub.s32 s2, s4  }
0xc: {  	vm6 =	vcmask $0x308;
	vm7 =	vcmask $0x70C;
	vm8 =	vcmask $0x1318;
	s2 =	sadd.s32 $0x600, s3;
	s3 =	sadd.s32 $0x800, s3;
	s4 =	smax.u32 s4, $0x1  }
.LBB2_2:
0xd: {  	[tilespmem:s5], [sflag:$0x1] =	stream.linear.gather [hbm4b:s2+s5], $0x400, $0x38;
	[tilespmem:$0x480] =	vst v63  }
0xe: {  	_ =	swait.ge [sflag:s6], $0x400  }
0xf: {  	[sflag:s6] =	ssyncset.done $0x0  }
0x10: {  	[sflag:s6] =	ssyncadd.s32 $0xFFFFFC00  }
0x11: {  	v1 =	vld [tilespmem:$0x0]  }
0x12: {  	v2 =	vld [tilespmem:$0x10]  }
0x13: {  	v3 =	vld [tilespmem:$0x20]  }
0x14: {  	v4 =	vld [tilespmem:$0x30];
	_ =	sdelay $0x2  }
0x15: {  	v5 =	vld [tilespmem:$0x40]  }
0x16: {  	v6 =	vld [tilespmem:$0x50];
	vm1 =	veq.s32 v1, $0x7D00;
	vm2 =	veq.s32 v2, $0x7D00  }
0x17: {  	vm3 =	veq.s32 v4, $0x7D00;
	v2 =	vld [tilespmem:$0x70];
	vm1 =	vmor vm1, vm2;
	vm2 =	veq.s32 v3, $0x7D00  }
0x18: {  	v1 =	vld [tilespmem:$0x60];
	v3 =	vmpcnt.ones.xlane vm1;
	vm1 =	vmor vm2, vm3  }
0x19: {  	v41 =	vld [tilespmem:$0x80];
	v7 =	vmpcnt.ones.xlane vm1  }
0x1a: {  	v8 =	vld [tilespmem:$0x90];
	vm1 =	vgt.s32 v3, $0x0  }
0x1b: {  	v42 =	vld [tilespmem:$0xB0];
	vm2 =	veq.s32 v6, $0x7D00;
	v9 =	vsel vm1, $0x1, v0;
	vm1 =	vgt.s32 v7, $0x0  }
0x1c: {  	v3 =	vld [tilespmem:$0xA0];
	vm3 =	veq.s32 v2, $0x7D00;
	v10 =	vsel vm1, $0x1, v0;
	vm1 =	veq.s32 v5, $0x7D00  }
0x1d: {  	v11 =	vld [tilespmem:$0xC0];
	v9 =	vnsel vm0, $0x0, v9;
	vm1 =	vmor vm1, vm2;
	vm2 =	veq.s32 v1, $0x7D00  }
0x1e: {  	v43 =	vld [tilespmem:$0xD0];
	v10 =	vsel vm6, $0x0, v10;
	v2 =	vmpcnt.ones.xlane vm1;
	vm1 =	vmor vm2, vm3  }
0x1f: {  	v12 =	vld [tilespmem:$0xE0];
	vm2 =	veq.s32 v8, $0x7D00;
	v45 =	vmpcnt.ones.xlane vm1;
	vm1 =	veq.s32 v41, $0x7D00  }
0x20: {  	v44 =	vld [tilespmem:$0xF0];
	v1 =	vor.u32 v9, v10;
	vm3 =	veq.s32 v42, $0x7D00;
	vm1 =	vmor vm1, vm2  }
0x21: {  	v47 =	vld [tilespmem:$0x110];
	vm2 =	veq.s32 v3, $0x7D00;
	vm4 =	vgt.s32 v2, $0x0;
	v3 =	vmpcnt.ones.xlane vm1  }
0x22: {  	v46 =	vld [tilespmem:$0x100];
	vm1 =	vmor vm2, vm3;
	v2 =	vsel vm4, $0x1, v0;
	vm2 =	vgt.s32 v45, $0x0  }
0x23: {  	v48 =	vld [tilespmem:$0x120];
	vm3 =	veq.s32 v11, $0x7D00;
	vm4 =	veq.s32 v43, $0x7D00;
	v49 =	vmpcnt.ones.xlane vm1  }
0x24: {  	v13 =	vld [tilespmem:$0x130];
	v5 =	vsel vm7, $0x0, v2;
	v2 =	vsel vm2, $0x1, v0;
	vm1 =	vgt.s32 v3, $0x0  }
0x25: {  	v14 =	vld [tilespmem:$0x140];
	v1 =	vor.u32 v5, v1;
	vm2 =	vgt.s32 v49, $0x0;
	v4 =	vsel vm1, $0x1, v0  }
0x26: {  	v50 =	vld [tilespmem:$0x150];
	vm1 =	vmor vm3, vm4;
	vm3 =	veq.s32 v47, $0x7D00;
	v3 =	vsel vm2, $0x1, v0  }
0x27: {  	v51 =	vld [tilespmem:$0x160];
	v15 =	vmpcnt.ones.xlane vm1;
	vm1 =	veq.s32 v12, $0x7D00;
	vm2 =	veq.s32 v44, $0x7D00  }
0x28: {  	v52 =	vld [tilespmem:$0x170];
	vm1 =	vmor vm1, vm2;
	vm2 =	veq.s32 v46, $0x7D00;
	v3 =	vsel vm8, $0x0, v3  }
0x29: {  	v53 =	vld [tilespmem:$0x180];
	vm4 =	vgt.s32 v15, $0x0;
	v54 =	vmpcnt.ones.xlane vm1;
	vm1 =	vmor vm2, vm3  }
0x2a: {  	v55 =	vld [tilespmem:$0x190];
	vm2 =	veq.s32 v13, $0x7D00;
	v16 =	vmpcnt.ones.xlane vm1;
	vm1 =	veq.s32 v48, $0x7D00  }
0x2b: {  	v56 =	vld [tilespmem:$0x1A0];
	vm3 =	veq.s32 v50, $0x7D00;
	vm1 =	vmor vm1, vm2;
	vm2 =	veq.s32 v14, $0x7D00  }
0x2c: {  	v57 =	vld [tilespmem:$0x1B0];
	v7 =	vsel vm4, $0x1, v0;
	v58 =	vmpcnt.ones.xlane vm1;
	vm1 =	vmor vm2, vm3  }
0x2d: {  	v17 =	vld [tilespmem:$0x1C0];
	vm2 =	vgt.s32 v54, $0x0;
	vm3 =	vgt.s32 v16, $0x0;
	v59 =	vmpcnt.ones.xlane vm1  }
0x2e: {  	v18 =	vld [tilespmem:$0x1D0];
	vm4 =	veq.s32 v52, $0x7D00;
	v10 =	vsel vm2, $0x1, v0;
	v8 =	vsel vm3, $0x1, v0  }
0x2f: {  	v19 =	vld [tilespmem:$0x1E0];
	vm3 =	veq.s32 v51, $0x7D00;
	vm1 =	vgt.s32 v58, $0x0;
	vm2 =	vgt.s32 v59, $0x0  }
0x30: {  	v60 =	vld [tilespmem:$0x1F0];
	v9 =	vsel vm1, $0x1, v0;
	vm1 =	vmor vm3, vm4;
	v6 =	vsel vm2, $0x1, v0  }
0x31: {  	v61 =	vld [tilespmem:$0x200];
	v20 =	vmpcnt.ones.xlane vm1;
	vm1 =	veq.s32 v53, $0x7D00;
	vm2 =	veq.s32 v55, $0x7D00  }
0x32: {  	v21 =	vld [tilespmem:$0x210];
	vm3 =	veq.s32 v57, $0x7D00;
	vm1 =	vmor vm1, vm2;
	vm2 =	veq.s32 v56, $0x7D00  }
0x33: {  	v22 =	vld [tilespmem:$0x220];
	vm4 =	vgt.s32 v20, $0x0;
	v62 =	vmpcnt.ones.xlane vm1;
	vm1 =	vmor vm2, vm3  }
0x34: {  	v63 =	vld [tilespmem:$0x230];
	vm2 =	veq.s32 v18, $0x7D00;
	v27 =	vmpcnt.ones.xlane vm1;
	vm1 =	veq.s32 v17, $0x7D00  }
0x35: {  	v28 =	vld [tilespmem:$0x240];
	vm3 =	veq.s32 v60, $0x7D00;
	vm1 =	vmor vm1, vm2;
	vm2 =	veq.s32 v19, $0x7D00  }
0x36: {  	v29 =	vld [tilespmem:$0x250];
	v14 =	vsel vm4, $0x1, v0;
	v30 =	vmpcnt.ones.xlane vm1;
	vm1 =	vmor vm2, vm3  }
0x37: {  	v31 =	vld [tilespmem:$0x260];
	vm2 =	vgt.s32 v62, $0x0;
	vm3 =	vgt.s32 v27, $0x0;
	v32 =	vmpcnt.ones.xlane vm1  }
0x38: {  	v23 =	vld [tilespmem:$0x270];
	vm4 =	veq.s32 v21, $0x7D00;
	v15 =	vsel vm2, $0x1, v0;
	v12 =	vsel vm3, $0x1, v0  }
0x39: {  	v24 =	vld [tilespmem:$0x280];
	vm3 =	veq.s32 v61, $0x7D00;
	vm1 =	vgt.s32 v30, $0x0;
	vm2 =	vgt.s32 v32, $0x0  }
0x3a: {  	v33 =	vld [tilespmem:$0x290];
	v13 =	vsel vm1, $0x1, v0;
	vm1 =	vmor vm3, vm4;
	v11 =	vsel vm2, $0x1, v0  }
0x3b: {  	v25 =	vmpcnt.ones.xlane vm1;
	vm1 =	veq.s32 v22, $0x7D00;
	vm2 =	veq.s32 v63, $0x7D00  }
0x3c: {  	v34 =	vld [tilespmem:$0x2A0];
	vm3 =	veq.s32 v29, $0x7D00;
	vm1 =	vmor vm1, vm2;
	vm2 =	veq.s32 v28, $0x7D00  }
0x3d: {  	v35 =	vld [tilespmem:$0x2B0];
	vm4 =	vgt.s32 v25, $0x0;
	v37 =	vmpcnt.ones.xlane vm1;
	vm1 =	vmor vm2, vm3  }
0x3e: {  	v36 =	vld [tilespmem:$0x2C0];
	vm2 =	veq.s32 v23, $0x7D00;
	v39 =	vmpcnt.ones.xlane vm1;
	vm1 =	veq.s32 v31, $0x7D00  }
0x3f: {  	v38 =	vld [tilespmem:$0x2D0];
	vm3 =	veq.s32 v33, $0x7D00;
	vm1 =	vmor vm1, vm2;
	vm2 =	veq.s32 v24, $0x7D00  }
0x40: {  	v40 =	vld [tilespmem:$0x2E0];
	v23 =	vsel vm4, $0x1, v0;
	v42 =	vmpcnt.ones.xlane vm1;
	vm1 =	vmor vm2, vm3  }
0x41: {  	v41 =	vld [tilespmem:$0x2F0];
	vm2 =	vgt.s32 v37, $0x0;
	vm3 =	vgt.s32 v39, $0x0;
	v43 =	vmpcnt.ones.xlane vm1  }
0x42: {  	v26 =	vld [tilespmem:$0x300];
	vm4 =	veq.s32 v35, $0x7D00;
	v27 =	vsel vm2, $0x1, v0;
	v28 =	vsel vm3, $0x1, v0  }
0x43: {  	v46 =	vld [tilespmem:$0x330];
	vm3 =	veq.s32 v34, $0x7D00;
	vm1 =	vgt.s32 v42, $0x0;
	vm2 =	vgt.s32 v43, $0x0  }
0x44: {  	v44 =	vld [tilespmem:$0x310];
	v20 =	vsel vm1, $0x1, v0;
	vm1 =	vmor vm3, vm4;
	v21 =	vsel vm2, $0x1, v0  }
0x45: {  	vm2 =	veq.s32 v36, $0x7D00;
	v47 =	vmpcnt.ones.xlane vm1;
	vm1 =	veq.s32 v38, $0x7D00  }
0x46: {  	v45 =	vld [tilespmem:$0x320];
	v6 =	vsel vm10, $0x0, v6;
	vm3 =	veq.s32 v41, $0x7D00;
	vm1 =	vmor vm2, vm1  }
0x47: {  	v29 =	vld [tilespmem:$0x340];
	vm2 =	veq.s32 v40, $0x7D00;
	vm4 =	vgt.s32 v47, $0x0;
	v50 =	vmpcnt.ones.xlane vm1  }
0x48: {  	v51 =	vld [tilespmem:$0x370];
	vm1 =	vmor vm2, vm3;
	vm2 =	veq.s32 v26, $0x7D00;
	vm3 =	veq.s32 v46, $0x7D00  }
0x49: {  	v46 =	vsel vm6, $0x0, v27;
	v52 =	vmpcnt.ones.xlane vm1;
	vm1 =	veq.s32 v44, $0x7D00  }
0x4a: {  	v48 =	vld [tilespmem:$0x350];
	v47 =	vsel vm9, $0x0, v9;
	v60 =	vsel vm4, $0x1, v0;
	vm1 =	vmor vm2, vm1  }
0x4b: {  	v53 =	vld [tilespmem:$0x380];
	vm2 =	veq.s32 v45, $0x7D00;
	vm5 =	vgt.s32 v50, $0x0;
	v45 =	vnsel vm0, $0x0, v23  }
0x4c: {  	v49 =	vld [tilespmem:$0x360];
	v55 =	vmpcnt.ones.xlane vm1;
	vm1 =	vmor vm2, vm3;
	vm2 =	veq.s32 v29, $0x7D00  }
0x4d: {  	v54 =	vld [tilespmem:$0x390];
	vm3 =	veq.s32 v51, $0x7D00;
	vm4 =	vgt.s32 v52, $0x0;
	v62 =	vsel vm5, $0x1, v0  }
0x4e: {  	v58 =	vld [tilespmem:$0x3B0];
	v5 =	vor.u32 v45, v46;
	v51 =	vsel vm8, $0x0, v60;
	v52 =	vsel vm11, $0x0, v14  }
0x4f: {  	v59 =	vld [tilespmem:$0x3C0];
	v60 =	vsel vm14, $0x0, v13;
	v57 =	vmpcnt.ones.xlane vm1;
	vm1 =	veq.s32 v48, $0x7D00  }
0x50: {  	v56 =	vld [tilespmem:$0x3A0];
	v63 =	vsel vm4, $0x1, v0;
	vm4 =	veq.s32 v53, $0x7D00;
	v48 =	vsel vm7, $0x0, v28  }
0x51: {  	v61 =	vld [tilespmem:$0x3D0];
	vm1 =	vmor vm2, vm1;
	vm2 =	veq.s32 v49, $0x7D00;
	v5 =	vor.u32 v48, v5  }
0x52: {  	vm2 =	vmor vm2, vm3;
	vm3 =	vgt.s32 v55, $0x0;
	vm5 =	vgt.s32 v57, $0x0  }
0x53: {  	v33 =	vmpcnt.ones.xlane vm1;
	vm1 =	veq.s32 v58, $0x7D00;
	v55 =	vsel vm12, $0x0, v15  }
0x54: {  	v58 =	vsel vm13, $0x0, v12;
	v31 =	vsel vm3, $0x1, v0;
	vm3 =	veq.s32 v54, $0x7D00  }
0x55: {  	v36 =	vld [tilespmem:$0x3F0];
	v32 =	vsel vm5, $0x1, v0;
	vm5 =	veq.s32 v56, $0x7D00;
	v34 =	vmpcnt.ones.xlane vm2  }
0x56: {  	vm2 =	vmor vm4, vm3;
	vm3 =	veq.s32 v59, $0x7D00;
	vm4 =	veq.s32 v61, $0x7D00  }
0x57: {  	vm1 =	vmor vm5, vm1;
	vm5 =	vcmask $0xF14;
	v57 =	vsel vm9, $0x0, v32  }
0x58: {  	vm3 =	vmor vm3, vm4;
	v37 =	vmpcnt.ones.xlane vm2;
	vm2 =	vgt.s32 v33, $0x0  }
0x59: {  	vm4 =	vcmask $0xB10;
	v4 =	vsel vm5, $0x0, v4;
	v39 =	vmpcnt.ones.xlane vm1  }
0x5a: {  	v35 =	vld [tilespmem:$0x3E0];
	vm1 =	veq.s32 v36, $0x7D00;
	v50 =	vsel vm5, $0x0, v21;
	v2 =	vsel vm4, $0x0, v2  }
0x5b: {  	v40 =	vmpcnt.ones.xlane vm3;
	vm3 =	vcmask $0x1B20;
	v49 =	vsel vm4, $0x0, v20  }
0x5c: {  	v1 =	vor.u32 v2, v1;
	v2 =	vsel vm2, $0x1, v0;
	vm2 =	vgt.s32 v34, $0x0  }
0x5d: {  	v42 =	vsel vm3, $0x0, v10;
	v5 =	vor.u32 v49, v5;
	v54 =	vsel vm3, $0x0, v63  }
0x5e: {  	v22 =	vsel vm2, $0x1, v0;
	vm2 =	vgt.s32 v37, $0x0;
	v1 =	vor.u32 v4, v1  }
0x5f: {  	v5 =	vor.u32 v50, v5;
	v38 =	vsel vm2, $0x1, v0;
	vm2 =	veq.s32 v35, $0x7D00  }
0x60: {  	v1 =	vor.u32 v3, v1;
	v5 =	vor.u32 v51, v5;
	vm1 =	vmor vm2, vm1  }
0x61: {  	vm2 =	vcmask $0x171C;
	v3 =	vmpcnt.ones.xlane vm1;
	vm1 =	vgt.s32 v39, $0x0  }
0x62: {  	v7 =	vsel vm2, $0x0, v7;
	v41 =	vsel vm1, $0x1, v0;
	vm1 =	vgt.s32 v40, $0x0  }
0x63: {  	v53 =	vsel vm2, $0x0, v62;
	v43 =	vsel vm1, $0x1, v0;
	vm1 =	vgt.s32 v3, $0x0  }
0x64: {  	v1 =	vor.u32 v7, v1;
	v3 =	vsel vm1, $0x1, v0;
	vm1 =	vcmask $0x1F24  }
0x65: {  	v5 =	vor.u32 v53, v5;
	v1 =	vor.u32 v42, v1;
	v44 =	vsel vm1, $0x0, v8  }
0x66: {  	v5 =	vor.u32 v54, v5;
	v56 =	vsel vm1, $0x0, v31;
	v1 =	vor.u32 v44, v1  }
0x67: {  	v2 =	vsel vm10, $0x0, v2;
	v5 =	vor.u32 v56, v5;
	v1 =	vor.u32 v47, v1  }
0x68: {  	v59 =	vsel vm11, $0x0, v22;
	v5 =	vor.u32 v57, v5;
	v1 =	vor.u32 v6, v1  }
0x69: {  	v4 =	vsel vm12, $0x0, v38;
	v2 =	vor.u32 v2, v5;
	v1 =	vor.u32 v52, v1  }
0x6a: {  	v62 =	vsel vm15, $0x0, v11;
	v2 =	vor.u32 v59, v2;
	v1 =	vor.u32 v55, v1  }
0x6b: {  	v61 =	vsel vm13, $0x0, v41;
	v2 =	vor.u32 v4, v2;
	v1 =	vor.u32 v58, v1  }
0x6c: {  	v63 =	vsel vm14, $0x0, v43;
	v2 =	vor.u32 v61, v2;
	v1 =	vor.u32 v60, v1  }
0x6d: {  	v3 =	vsel vm15, $0x0, v3;
	v2 =	vor.u32 v63, v2;
	v1 =	vor.u32 v62, v1  }
0x6e: {  	p0 =	sne.s32 s4, $0x1;
	v2 =	vor.u32 v3, v2;
	[tilespmem:$0x400] =	vst v1  }
.Ltmp1:
0x6f: {  	[tilespmem:$0x410] =	vst v2;
	(pc) =	sbr.rel @p0 .LBB2_2-.Ltmp1, $4  }
0x70: {  	[hbm4b:s3+s5] =	stream.linear.scatter [tilespmem:s7], [sflag:$0x1], $0x80, $0x38;
	[tilespmem:$0x480] =	vst v63  }
0x71: {  	_ =	swait.ge [sflag:s6], $0x80  }
0x72: {  	[sflag:s6] =	ssyncset.done $0x0  }
0x73: {  	s4 =	sadd.s32 $0xFFFFFFFF, s4;
	[sflag:s6] =	ssyncadd.s32 $0xFFFFFF80  }
.LBB2_3:
0x74: {  	_ =	sfence.sel $0x180000  }
0x75: {  	[bflag:$0x0] =	sbarrier.arrive $0xFFFF  }
0x76: {  	p0 =	sne.s32 s0, $0x0;
	_ =	strace $0x90000047  }
0x77: {  	s0 =	sadd.s32 @!p0 $0x100000, s1;
	[bflag:$0x2] =	sbarrier.arrive $0xFFFF  }
0x78: {  	[sflag:s0] =	ssyncadd.tile.s32 @!p0 $0x1;
	_ =	shalt  }
.Lfunc_end2:
_tile_overlayer_lowered:
.L_overlay_start_2:
0x79: {  	(tag) =	ssettag $0x2  }
0x7a: {  	s0 =	rddreg [dreg:$0x0];
	s2 =	stileid.u32  }
0x7b: {  	s1 =	rddreg [dreg:$0x1];
	p0 =	sne.s32 s2, $0x0  }
0x7c: {  	s3 =	rddreg [dreg:$0x2];
	[bflag:$0x3] =	sbarrier.arrive $0xFFFF;
	s2 =	simm.s32 @!p0 $0x1C01  }
0x7d: {  	[timem:s3], [sflag:s2] =	dma.local @!p0 [hbm:s0], s1  }
0x7e: {  	s0 =	simm.s32 @!p0 $0x1  }
0x7f: {  	_ =	swait.ge @!p0 [sflag:s0], s1  }
0x80: {  	s1 =	ssub.s32 @!p0 $0x0, s1;
	[sflag:s0] =	ssyncset.done @!p0 $0x0  }
0x81: {  	[sflag:s0] =	ssyncadd.s32 @!p0 s1  }
0x82: {  	[bflag:$0x3] =	sbarrier.arrive $0xFFFF  }
0x83: {  	_ =	shalt  }

</sc_bundles>
